<compile_context>
chip_gen: v7x
topology: tpu7x:2x2x1
jax: 0.10.2.dev20260603
libtpu: 0.0.44.dev20260713+nightly
codegen_flags: <defaults>
</compile_context>

<pallas_src>
import jax
import jax.numpy as jnp
from jax import lax
from jax.experimental import pallas as pl
from jax.experimental.pallas import tpu as pltpu
from jax.experimental.pallas import tpu_sc as plsc

N = 10000
E = 320000
D = 128
H = 128
OUT = 64
G = 128
EPS = 0.0
BNEPS = 1e-5

NC = 2
NS = 16
NW = NC * NS
K = 128
C = 80
CAP = NW * C * K
RPT = 632
N_ACC = NS * RPT
N_OUT = N_ACC
CH = 40

BR = 400
NB = N // BR


NBUF = 2


def _seg_sum_body(tbl_hbm, srcs_hbm, dsts_hbm, zeros_hbm, out_hbm,
                  src_v, dst_v, acc, *bufs_sems):
    rows = bufs_sems[:NBUF]
    gsem = bufs_sems[NBUF:2 * NBUF]
    ssem = bufs_sems[2 * NBUF:]
    c = lax.axis_index("c")
    s = lax.axis_index("s")
    wid = s * NC + c

    pltpu.sync_copy(zeros_hbm, acc.at[pl.ds(s * RPT, RPT)])
    plsc.subcore_barrier()

    for h in range(C // CH):
        pltpu.sync_copy(srcs_hbm.at[wid, pl.ds(h * CH, CH)], src_v)
        pltpu.sync_copy(dsts_hbm.at[wid, pl.ds(h * CH, CH)], dst_v)
        for b in range(NBUF):
            pltpu.async_copy(tbl_hbm.at[src_v.at[b]], rows[b], gsem[b])

        def outer(j, carry):
            for b in range(NBUF):
                e = j * NBUF + b
                pltpu.make_async_copy(tbl_hbm.at[src_v.at[e]], rows[b],
                                      gsem[b]).wait()
                pltpu.async_copy(rows[b], acc.at[dst_v.at[e]], ssem[b],
                                 add=True)
                en = e + NBUF

                @pl.when(en < CH)
                def _():
                    pltpu.make_async_copy(rows[b], acc.at[dst_v.at[e]],
                                          ssem[b]).wait()
                    pltpu.async_copy(tbl_hbm.at[src_v.at[en]], rows[b],
                                     gsem[b])
            return carry

        lax.fori_loop(0, CH // NBUF, outer, 0)
        for b in range(NBUF):
            pltpu.make_async_copy(rows[b], acc.at[dst_v.at[CH - NBUF + b]],
                                  ssem[b]).wait()

    plsc.subcore_barrier()
    pltpu.sync_copy(acc.at[pl.ds(s * RPT, RPT)],
                    out_hbm.at[c, pl.ds(s * RPT, RPT)])


def _seg_sum_call(table, srcs3, dsts3, zeros_z):
    mesh = plsc.VectorSubcoreMesh(core_axis_name="c", subcore_axis_name="s",
                                  num_cores=NC, num_subcores=NS)
    return pl.kernel(
        _seg_sum_body,
        out_type=jax.ShapeDtypeStruct((NC, N_OUT, D), jnp.float32),
        mesh=mesh,
        scratch_types=[
            pltpu.VMEM((CH, K), jnp.int32),
            pltpu.VMEM((CH, K), jnp.int32),
            pltpu.VMEM_SHARED((N_ACC, D), jnp.float32),
        ] + [pltpu.VMEM((K, D), jnp.float32)] * NBUF
          + [pltpu.SemaphoreType.DMA] * (2 * NBUF),
    )(table, srcs3, dsts3, zeros_z)


def _mlp_bn_body(x_ref, agg_ref, wa_ref, ba_ref, wb_ref, bb_ref, g_ref,
                 be_ref, o_ref, hbuf, s_ref, q_ref):
    p = pl.program_id(0)
    i = pl.program_id(1)

    @pl.when(p == 0)
    def _():
        z = x_ref[...] * (1.0 + EPS) + agg_ref[0] + agg_ref[1]
        a = jnp.maximum(
            jnp.dot(z, wa_ref[...], preferred_element_type=jnp.float32)
            + ba_ref[...], 0.0)
        h = (jnp.dot(a, wb_ref[...], preferred_element_type=jnp.float32)
             + bb_ref[...])
        hbuf[pl.ds(i * BR, BR), :] = h

        @pl.when(i == 0)
        def _():
            s_ref[...] = jnp.zeros_like(s_ref)
            q_ref[...] = jnp.zeros_like(q_ref)

        s_ref[...] += jnp.sum(h, axis=0, keepdims=True)
        q_ref[...] += jnp.sum(h * h, axis=0, keepdims=True)

    @pl.when(p == 1)
    def _():
        mu = s_ref[...] * (1.0 / N)
        var = q_ref[...] * (1.0 / N) - mu * mu
        inv = g_ref[...] * lax.rsqrt(var + BNEPS)
        sh = be_ref[...] - mu * inv
        o_ref[...] = jnp.maximum(hbuf[pl.ds(i * BR, BR), :] * inv + sh, 0.0)


def _mlp_bn_call(xin, aggp, wa, ba, wb, bb, g, be):
    const = pl.BlockSpec((1, H), lambda p, i: (0, 0))
    return pl.pallas_call(
        _mlp_bn_body,
        grid=(2, NB),
        in_specs=[
            pl.BlockSpec((BR, D), lambda p, i: (i * (1 - p), 0)),
            pl.BlockSpec((NC, BR, D), lambda p, i: (0, i * (1 - p), 0)),
            pl.BlockSpec((D, H), lambda p, i: (0, 0)),
            const,
            pl.BlockSpec((H, H), lambda p, i: (0, 0)),
            const, const, const,
        ],
        out_specs=pl.BlockSpec((BR, H), lambda p, i: (i * p, 0)),
        out_shape=jax.ShapeDtypeStruct((N, H), jnp.float32),
        scratch_shapes=[
            pltpu.VMEM((N, H), jnp.float32),
            pltpu.VMEM((1, H), jnp.float32),
            pltpu.VMEM((1, H), jnp.float32),
        ],
    )(xin, aggp, wa, ba, wb, bb, g, be)


def _mlp_bn_pool_body(x_ref, agg_ref, wa_ref, ba_ref, wb_ref, bb_ref, g_ref,
                      be_ref, bat_ref, wl_ref, bl_ref, o_ref,
                      hbuf, s_ref, q_ref, pool_ref):
    p = pl.program_id(0)
    i = pl.program_id(1)

    @pl.when(p == 0)
    def _():
        z = x_ref[...] * (1.0 + EPS) + agg_ref[0] + agg_ref[1]
        a = jnp.maximum(
            jnp.dot(z, wa_ref[...], preferred_element_type=jnp.float32)
            + ba_ref[...], 0.0)
        h = (jnp.dot(a, wb_ref[...], preferred_element_type=jnp.float32)
             + bb_ref[...])
        hbuf[pl.ds(i * BR, BR), :] = h

        @pl.when(i == 0)
        def _():
            s_ref[...] = jnp.zeros_like(s_ref)
            q_ref[...] = jnp.zeros_like(q_ref)

        s_ref[...] += jnp.sum(h, axis=0, keepdims=True)
        q_ref[...] += jnp.sum(h * h, axis=0, keepdims=True)

    @pl.when(p == 1)
    def _():
        mu = s_ref[...] * (1.0 / N)
        var = q_ref[...] * (1.0 / N) - mu * mu
        inv = g_ref[...] * lax.rsqrt(var + BNEPS)
        sh = be_ref[...] - mu * inv
        h = jnp.maximum(hbuf[pl.ds(i * BR, BR), :] * inv + sh, 0.0)

        bat = bat_ref[0]
        onehot = (lax.broadcasted_iota(jnp.int32, (G, BR), 0) == bat
                  ).astype(jnp.float32)
        part = jnp.dot(onehot, h, preferred_element_type=jnp.float32)

        @pl.when(i == 0)
        def _():
            pool_ref[...] = jnp.zeros_like(pool_ref)

        pool_ref[...] += part

        @pl.when(i == NB - 1)
        def _():
            logits = (jnp.dot(pool_ref[...], wl_ref[...],
                              preferred_element_type=jnp.float32)
                      + bl_ref[...])
            m = jnp.max(logits, axis=1, keepdims=True)
            lse = jnp.log(jnp.sum(jnp.exp(logits - m), axis=1, keepdims=True))
            o_ref[...] = logits - m - lse


def _mlp_bn_pool_call(xin, aggp, wa, ba, wb, bb, g, be, bat3, wl, bl):
    const = pl.BlockSpec((1, H), lambda p, i: (0, 0))
    return pl.pallas_call(
        _mlp_bn_pool_body,
        grid=(2, NB),
        in_specs=[
            pl.BlockSpec((BR, D), lambda p, i: (i * (1 - p), 0)),
            pl.BlockSpec((NC, BR, D), lambda p, i: (0, i * (1 - p), 0)),
            pl.BlockSpec((D, H), lambda p, i: (0, 0)),
            const,
            pl.BlockSpec((H, H), lambda p, i: (0, 0)),
            const, const, const,
            pl.BlockSpec((1, 1, BR), lambda p, i: (i * p, 0, 0)),
            pl.BlockSpec((H, OUT), lambda p, i: (0, 0)),
            pl.BlockSpec((1, OUT), lambda p, i: (0, 0)),
        ],
        out_specs=pl.BlockSpec((G, OUT), lambda p, i: (0, 0)),
        out_shape=jax.ShapeDtypeStruct((G, OUT), jnp.float32),
        scratch_shapes=[
            pltpu.VMEM((N, H), jnp.float32),
            pltpu.VMEM((1, H), jnp.float32),
            pltpu.VMEM((1, H), jnp.float32),
            pltpu.VMEM((G, H), jnp.float32),
        ],
    )(xin, aggp, wa, ba, wb, bb, g, be, bat3, wl, bl)


def kernel(x, edge_index, batch, W1a, b1a, W1b, b1b, g1, be1,
           W2a, b2a, W2b, b2b, g2, be2, Wl, bl):
    src = edge_index[0]
    dst = edge_index[1]
    pad = CAP - E
    dst_pad = N + (jnp.arange(pad, dtype=jnp.int32) % (N_ACC - N))
    srcs3 = jnp.concatenate(
        [src, jnp.zeros((pad,), jnp.int32)]).reshape(C, NW, K).transpose(1, 0, 2)
    dsts3 = jnp.concatenate(
        [dst, dst_pad]).reshape(C, NW, K).transpose(1, 0, 2)
    zeros_z = jnp.zeros((RPT, D), jnp.float32)
    bat3 = batch.reshape(NB, 1, BR)

    b1a2, b1b2 = b1a.reshape(1, H), b1b.reshape(1, H)
    b2a2, b2b2 = b2a.reshape(1, H), b2b.reshape(1, H)
    g12, be12 = g1.reshape(1, H), be1.reshape(1, H)
    g22, be22 = g2.reshape(1, H), be2.reshape(1, H)
    bl2 = bl.reshape(1, OUT)

    agg1 = _seg_sum_call(x, srcs3, dsts3, zeros_z)
    hn1 = _mlp_bn_call(x, agg1, W1a, b1a2, W1b, b1b2, g12, be12)

    agg2 = _seg_sum_call(hn1, srcs3, dsts3, zeros_z)
    return _mlp_bn_pool_call(hn1, agg2, W2a, b2a2, W2b, b2b2, g22, be22,
                             bat3, Wl, bl2)

# --- scband reference (transcript-rebuilt; emitter-appended) ---
"""Pipeline reference for scband-gin-51702816309753 (READ-ONLY COPY).

The authoritative reference and input builder live on the scoring server;
editing this copy changes nothing except your own understanding.
"""

import jax, jax.numpy as jnp
import numpy as np

N = 10000
E = 320000
D = 128
H = 128
OUT = 64
G = 128
EPS_GIN = 0.0
BN_EPS = 1e-5


def setup_inputs(seed: int = 0) -> dict:
    key = jax.random.key(seed)
    ks = jax.random.split(key, 20)
    x = jax.random.normal(ks[0], (N, D), dtype=jnp.float32)
    edge_index = jax.random.randint(ks[1], (2, E), 0, N, dtype=jnp.int32)
    batch = jnp.sort(jax.random.randint(ks[2], (N,), 0, G, dtype=jnp.int32))
    s_d = 1.0 / np.sqrt(D)
    s_h = 1.0 / np.sqrt(H)
    inp = {
        'x': x,
        'edge_index': edge_index,
        'batch': batch,
        'W1a': jax.random.uniform(ks[3], (D, H), jnp.float32, -s_d, s_d),
        'b1a': jax.random.uniform(ks[4], (H,), jnp.float32, -s_d, s_d),
        'W1b': jax.random.uniform(ks[5], (H, H), jnp.float32, -s_h, s_h),
        'b1b': jax.random.uniform(ks[6], (H,), jnp.float32, -s_h, s_h),
        'g1': jnp.ones((H,), jnp.float32),
        'be1': jnp.zeros((H,), jnp.float32),
        'W2a': jax.random.uniform(ks[7], (H, H), jnp.float32, -s_h, s_h),
        'b2a': jax.random.uniform(ks[8], (H,), jnp.float32, -s_h, s_h),
        'W2b': jax.random.uniform(ks[9], (H, H), jnp.float32, -s_h, s_h),
        'b2b': jax.random.uniform(ks[10], (H,), jnp.float32, -s_h, s_h),
        'g2': jnp.ones((H,), jnp.float32),
        'be2': jnp.zeros((H,), jnp.float32),
        'Wl': jax.random.uniform(ks[11], (H, OUT), jnp.float32, -s_h, s_h),
        'bl': jax.random.uniform(ks[12], (OUT,), jnp.float32, -s_h, s_h),
    }
    return inp


def _mlp_bn(h, Wa, ba, Wb, bb, g, b):
    h = jnp.maximum(h @ Wa + ba, 0.0)
    h = h @ Wb + bb
    mu = jnp.mean(h, axis=0)
    var = jnp.var(h, axis=0)
    return (h - mu) / jnp.sqrt(var + BN_EPS) * g + b


def reference(x, edge_index, batch, W1a, b1a, W1b, b1b, g1, be1,
              W2a, b2a, W2b, b2b, g2, be2, Wl, bl):
    src = edge_index[0]
    dst = edge_index[1]
    # GINConv 1: out = mlp1((1+eps)*x + sum_{j in N(i)} x_j)
    agg = jax.ops.segment_sum(x[src], dst, num_segments=N)
    h = _mlp_bn((1.0 + EPS_GIN) * x + agg, W1a, b1a, W1b, b1b, g1, be1)
    h = jnp.maximum(h, 0.0)
    # GINConv 2
    agg2 = jax.ops.segment_sum(h[src], dst, num_segments=N)
    h = _mlp_bn((1.0 + EPS_GIN) * h + agg2, W2a, b2a, W2b, b2b, g2, be2)
    h = jnp.maximum(h, 0.0)
    # global_add_pool over graphs
    pooled = jax.ops.segment_sum(h, batch, num_segments=G)
    logits = pooled @ Wl + bl
    return jax.nn.log_softmax(logits, axis=1)

if __name__ == "__main__":
    import jax
    _d = setup_inputs()
    print(jax.jit(kernel)(*tuple(_d.values())))

</pallas_src>

<mosaic_0001>
#map = affine_map<(d0, d1) -> (0, 0)>
#map1 = affine_map<(d0, d1) -> (0, 0, 0)>
module attributes {stable_mosaic.version = 14 : i64} {
  func.func @_seg_sum_body(%arg0: i32, %arg1: i32, %arg2: memref<10000x128xf32, #tpu.memory_space<hbm>>, %arg3: memref<32x80x128xi32, #tpu.memory_space<hbm>>, %arg4: memref<32x80x128xi32, #tpu.memory_space<hbm>>, %arg5: memref<632x128xf32, #tpu.memory_space<hbm>>, %arg6: memref<2x10112x128xf32, #tpu.memory_space<hbm>>, %arg7: memref<40x128xi32, #tpu.memory_space<vmem>>, %arg8: memref<40x128xi32, #tpu.memory_space<vmem>>, %arg9: memref<10112x128xf32, #tpu.memory_space<vmem_shared>>, %arg10: memref<128x128xf32, #tpu.memory_space<vmem>>, %arg11: memref<128x128xf32, #tpu.memory_space<vmem>>, %arg12: memref<!tpu.dma_semaphore, #tpu.memory_space<semaphore_mem>>, %arg13: memref<!tpu.dma_semaphore, #tpu.memory_space<semaphore_mem>>, %arg14: memref<!tpu.dma_semaphore, #tpu.memory_space<semaphore_mem>>, %arg15: memref<!tpu.dma_semaphore, #tpu.memory_space<semaphore_mem>>) attributes {dimension_semantics = [#tpu.dimension_semantics<core_parallel>, #tpu.dimension_semantics<subcore_parallel>], iteration_bounds = array<i64: 2, 16>, scalar_prefetch = 0 : i64, scratch_operands = 9 : i64, tpu.core_type = #tpu.core_type<sc_vector_subcore>, window_params = [{transform_indices = #map}, {transform_indices = #map1}, {transform_indices = #map1}, {transform_indices = #map}, {transform_indices = #map1}]} {
    %mul3A = arith.constant 2 : i32
    %mul3A_0 = arith.muli %arg1, %mul3A : i32
    %add3A = arith.addi %mul3A_0, %arg0 : i32
    %mul3A_1 = arith.constant 632 : i32
    %mul3A_2 = arith.muli %arg1, %mul3A_1 : i32
    "tpu.region"() ({
      %run_scoped3A = tpu.sem_alloc : memref<!tpu.dma_semaphore, #tpu.memory_space<semaphore_mem>>
      %dma_start3A_73 = arith.constant 0 : i32
      %dma_start3A_74 = tpu.memref_slice %arg9[%mul3A_2, %dma_start3A_73] : memref<10112x128xf32, #tpu.memory_space<vmem_shared>> -> memref<632x128xf32, #tpu.memory_space<vmem_shared>>
      tpu.enqueue_dma source(%arg5 : memref<632x128xf32, #tpu.memory_space<hbm>>) target(%dma_start3A_74 : memref<632x128xf32, #tpu.memory_space<vmem_shared>>) target_semaphore(%run_scoped3A : memref<!tpu.dma_semaphore, #tpu.memory_space<semaphore_mem>>)
      %dma_wait3A_75 = arith.constant 0 : i32
      %dma_wait3A_76 = tpu.memref_slice %arg9[%mul3A_2, %dma_wait3A_75] : memref<10112x128xf32, #tpu.memory_space<vmem_shared>> -> memref<632x128xf32, #tpu.memory_space<vmem_shared>>
      tpu.wait_dma2 semaphore(%run_scoped3A : memref<!tpu.dma_semaphore, #tpu.memory_space<semaphore_mem>>) src(%arg5 : memref<632x128xf32, #tpu.memory_space<hbm>>) dst(%dma_wait3A_76 : memref<632x128xf32, #tpu.memory_space<vmem_shared>>)
      tpu.yield
    }) : () -> ()
    %barrier3A = arith.constant 0 : index
    tpu.barrier barrier_id(%barrier3A)
    "tpu.region"() ({
      %run_scoped3A = tpu.sem_alloc : memref<!tpu.dma_semaphore, #tpu.memory_space<semaphore_mem>>
      %dma_start3A_73 = arith.constant 0 : i32
      %dma_start3A_74 = arith.constant 0 : i32
      %dma_start3A_75 = tpu.memref_slice %arg3[%add3A, %dma_start3A_73, %dma_start3A_74] : memref<32x80x128xi32, #tpu.memory_space<hbm>> -> memref<1x40x128xi32, #tpu.memory_space<hbm>>
      %dma_start3A_76 = tpu.memref_squeeze %dma_start3A_75 : memref<1x40x128xi32, #tpu.memory_space<hbm>> -> memref<40x128xi32, #tpu.memory_space<hbm>>
      %dma_start3A_77 = arith.constant 0 : i32
      %dma_start3A_78 = arith.constant 0 : i32
      %dma_start3A_79 = tpu.memref_slice %arg3[%add3A, %dma_start3A_77, %dma_start3A_78] : memref<32x80x128xi32, #tpu.memory_space<hbm>> -> memref<1x40x128xi32, #tpu.memory_space<hbm>>
      %dma_start3A_80 = tpu.memref_squeeze %dma_start3A_79 : memref<1x40x128xi32, #tpu.memory_space<hbm>> -> memref<40x128xi32, #tpu.memory_space<hbm>>
      tpu.enqueue_dma source(%dma_start3A_80 : memref<40x128xi32, #tpu.memory_space<hbm>>) target(%arg7 : memref<40x128xi32, #tpu.memory_space<vmem>>) target_semaphore(%run_scoped3A : memref<!tpu.dma_semaphore, #tpu.memory_space<semaphore_mem>>)
      %dma_wait3A_81 = arith.constant 0 : i32
      %dma_wait3A_82 = arith.constant 0 : i32
      %dma_wait3A_83 = tpu.memref_slice %arg3[%add3A, %dma_wait3A_81, %dma_wait3A_82] : memref<32x80x128xi32, #tpu.memory_space<hbm>> -> memref<1x40x128xi32, #tpu.memory_space<hbm>>
      %dma_wait3A_84 = tpu.memref_squeeze %dma_wait3A_83 : memref<1x40x128xi32, #tpu.memory_space<hbm>> -> memref<40x128xi32, #tpu.memory_space<hbm>>
      %dma_wait3A_85 = arith.constant 0 : i32
      %dma_wait3A_86 = arith.constant 0 : i32
      %dma_wait3A_87 = tpu.memref_slice %arg3[%add3A, %dma_wait3A_85, %dma_wait3A_86] : memref<32x80x128xi32, #tpu.memory_space<hbm>> -> memref<1x40x128xi32, #tpu.memory_space<hbm>>
      %dma_wait3A_88 = tpu.memref_squeeze %dma_wait3A_87 : memref<1x40x128xi32, #tpu.memory_space<hbm>> -> memref<40x128xi32, #tpu.memory_space<hbm>>
      tpu.wait_dma2 semaphore(%run_scoped3A : memref<!tpu.dma_semaphore, #tpu.memory_space<semaphore_mem>>) src(%dma_wait3A_88 : memref<40x128xi32, #tpu.memory_space<hbm>>) dst(%arg7 : memref<40x128xi32, #tpu.memory_space<vmem>>)
      tpu.yield
    }) : () -> ()
    "tpu.region"() ({
      %run_scoped3A = tpu.sem_alloc : memref<!tpu.dma_semaphore, #tpu.memory_space<semaphore_mem>>
      %dma_start3A_73 = arith.constant 0 : i32
      %dma_start3A_74 = arith.constant 0 : i32
      %dma_start3A_75 = tpu.memref_slice %arg4[%add3A, %dma_start3A_73, %dma_start3A_74] : memref<32x80x128xi32, #tpu.memory_space<hbm>> -> memref<1x40x128xi32, #tpu.memory_space<hbm>>
      %dma_start3A_76 = tpu.memref_squeeze %dma_start3A_75 : memref<1x40x128xi32, #tpu.memory_space<hbm>> -> memref<40x128xi32, #tpu.memory_space<hbm>>
      %dma_start3A_77 = arith.constant 0 : i32
      %dma_start3A_78 = arith.constant 0 : i32
      %dma_start3A_79 = tpu.memref_slice %arg4[%add3A, %dma_start3A_77, %dma_start3A_78] : memref<32x80x128xi32, #tpu.memory_space<hbm>> -> memref<1x40x128xi32, #tpu.memory_space<hbm>>
      %dma_start3A_80 = tpu.memref_squeeze %dma_start3A_79 : memref<1x40x128xi32, #tpu.memory_space<hbm>> -> memref<40x128xi32, #tpu.memory_space<hbm>>
      tpu.enqueue_dma source(%dma_start3A_80 : memref<40x128xi32, #tpu.memory_space<hbm>>) target(%arg8 : memref<40x128xi32, #tpu.memory_space<vmem>>) target_semaphore(%run_scoped3A : memref<!tpu.dma_semaphore, #tpu.memory_space<semaphore_mem>>)
      %dma_wait3A_81 = arith.constant 0 : i32
      %dma_wait3A_82 = arith.constant 0 : i32
      %dma_wait3A_83 = tpu.memref_slice %arg4[%add3A, %dma_wait3A_81, %dma_wait3A_82] : memref<32x80x128xi32, #tpu.memory_space<hbm>> -> memref<1x40x128xi32, #tpu.memory_space<hbm>>
      %dma_wait3A_84 = tpu.memref_squeeze %dma_wait3A_83 : memref<1x40x128xi32, #tpu.memory_space<hbm>> -> memref<40x128xi32, #tpu.memory_space<hbm>>
      %dma_wait3A_85 = arith.constant 0 : i32
      %dma_wait3A_86 = arith.constant 0 : i32
      %dma_wait3A_87 = tpu.memref_slice %arg4[%add3A, %dma_wait3A_85, %dma_wait3A_86] : memref<32x80x128xi32, #tpu.memory_space<hbm>> -> memref<1x40x128xi32, #tpu.memory_space<hbm>>
      %dma_wait3A_88 = tpu.memref_squeeze %dma_wait3A_87 : memref<1x40x128xi32, #tpu.memory_space<hbm>> -> memref<40x128xi32, #tpu.memory_space<hbm>>
      tpu.wait_dma2 semaphore(%run_scoped3A : memref<!tpu.dma_semaphore, #tpu.memory_space<semaphore_mem>>) src(%dma_wait3A_88 : memref<40x128xi32, #tpu.memory_space<hbm>>) dst(%arg8 : memref<40x128xi32, #tpu.memory_space<vmem>>)
      tpu.yield
    }) : () -> ()
    %dma_start3A = arith.constant 0 : i32
    %dma_start3A_3 = arith.constant 0 : i32
    %dma_start3A_4 = tpu.memref_slice %arg7[%dma_start3A, %dma_start3A_3] : memref<40x128xi32, #tpu.memory_space<vmem>> -> memref<1x128xi32, #tpu.memory_space<vmem>>
    %dma_start3A_5 = tpu.memref_squeeze %dma_start3A_4 : memref<1x128xi32, #tpu.memory_space<vmem>> -> memref<128xi32, #tpu.memory_space<vmem>>
    %dma_start3A_6 = arith.constant 0 : i32
    %dma_start3A_7 = arith.constant 0 : i32
    %dma_start3A_8 = tpu.memref_slice %arg2[%dma_start3A_6, %dma_start3A_7] : memref<10000x128xf32, #tpu.memory_space<hbm>> -> memref<10000x128xf32, #tpu.memory_space<hbm>>
    tpu.enqueue_indirect_dma source(%dma_start3A_8 : memref<10000x128xf32, #tpu.memory_space<hbm>>) target(%arg10 : memref<128x128xf32, #tpu.memory_space<vmem>>) offsets(%dma_start3A_5 : memref<128xi32, #tpu.memory_space<vmem>>) semaphore(%arg12 : memref<!tpu.dma_semaphore, #tpu.memory_space<semaphore_mem>>)
    %dma_start3A_9 = arith.constant 1 : i32
    %dma_start3A_10 = arith.constant 0 : i32
    %dma_start3A_11 = tpu.memref_slice %arg7[%dma_start3A_9, %dma_start3A_10] : memref<40x128xi32, #tpu.memory_space<vmem>> -> memref<1x128xi32, #tpu.memory_space<vmem>>
    %dma_start3A_12 = tpu.memref_squeeze %dma_start3A_11 : memref<1x128xi32, #tpu.memory_space<vmem>> -> memref<128xi32, #tpu.memory_space<vmem>>
    %dma_start3A_13 = arith.constant 0 : i32
    %dma_start3A_14 = arith.constant 0 : i32
    %dma_start3A_15 = tpu.memref_slice %arg2[%dma_start3A_13, %dma_start3A_14] : memref<10000x128xf32, #tpu.memory_space<hbm>> -> memref<10000x128xf32, #tpu.memory_space<hbm>>
    tpu.enqueue_indirect_dma source(%dma_start3A_15 : memref<10000x128xf32, #tpu.memory_space<hbm>>) target(%arg11 : memref<128x128xf32, #tpu.memory_space<vmem>>) offsets(%dma_start3A_12 : memref<128xi32, #tpu.memory_space<vmem>>) semaphore(%arg13 : memref<!tpu.dma_semaphore, #tpu.memory_space<semaphore_mem>>)
    %scan3A = arith.constant 0 : i32
    %scan3A_16 = arith.constant 0 : i32
    %scan3A_17 = arith.constant 20 : i32
    %scan3A_18 = arith.addi %scan3A_16, %scan3A_17 : i32
    %scan3A_19 = arith.constant 1 : i32
    scf.for %scan3A_73 = %scan3A_16 to %scan3A_18 step %scan3A_19  : i32 {
      %mul3A_74 = arith.constant 2 : i32
      %mul3A_75 = arith.muli %scan3A_73, %mul3A_74 : i32
      %add3A_76 = arith.constant 0 : i32
      %add3A_77 = arith.addi %mul3A_75, %add3A_76 : i32
      %dma_wait3A_78 = arith.constant 0 : i32
      %dma_wait3A_79 = tpu.memref_slice %arg7[%add3A_77, %dma_wait3A_78] : memref<40x128xi32, #tpu.memory_space<vmem>> -> memref<1x128xi32, #tpu.memory_space<vmem>>
      %dma_wait3A_80 = tpu.memref_squeeze %dma_wait3A_79 : memref<1x128xi32, #tpu.memory_space<vmem>> -> memref<128xi32, #tpu.memory_space<vmem>>
      %dma_wait3A_81 = arith.constant 0 : i32
      %dma_wait3A_82 = arith.constant 0 : i32
      %dma_wait3A_83 = tpu.memref_slice %arg2[%dma_wait3A_81, %dma_wait3A_82] : memref<10000x128xf32, #tpu.memory_space<hbm>> -> memref<10000x128xf32, #tpu.memory_space<hbm>>
      tpu.wait_indirect_dma semaphore(%arg12 : memref<!tpu.dma_semaphore, #tpu.memory_space<semaphore_mem>>) src(%dma_wait3A_83 : memref<10000x128xf32, #tpu.memory_space<hbm>>) dst(%arg10 : memref<128x128xf32, #tpu.memory_space<vmem>>)
      %dma_start3A_84 = arith.constant 0 : i32
      %dma_start3A_85 = tpu.memref_slice %arg8[%add3A_77, %dma_start3A_84] : memref<40x128xi32, #tpu.memory_space<vmem>> -> memref<1x128xi32, #tpu.memory_space<vmem>>
      %dma_start3A_86 = tpu.memref_squeeze %dma_start3A_85 : memref<1x128xi32, #tpu.memory_space<vmem>> -> memref<128xi32, #tpu.memory_space<vmem>>
      %dma_start3A_87 = arith.constant 0 : i32
      %dma_start3A_88 = arith.constant 0 : i32
      %dma_start3A_89 = tpu.memref_slice %arg9[%dma_start3A_87, %dma_start3A_88] : memref<10112x128xf32, #tpu.memory_space<vmem_shared>> -> memref<10112x128xf32, #tpu.memory_space<vmem_shared>>
      tpu.enqueue_indirect_dma source(%arg10 : memref<128x128xf32, #tpu.memory_space<vmem>>) target(%dma_start3A_89 : memref<10112x128xf32, #tpu.memory_space<vmem_shared>>) offsets(%dma_start3A_86 : memref<128xi32, #tpu.memory_space<vmem>>) semaphore(%arg14 : memref<!tpu.dma_semaphore, #tpu.memory_space<semaphore_mem>>) {add = true}
      %add3A_90 = arith.constant 2 : i32
      %add3A_91 = arith.addi %add3A_77, %add3A_90 : i32
      %lt3A = arith.constant 40 : i32
      %lt3A_92 = arith.cmpi slt, %add3A_91, %lt3A : i32
      %convert_element_type3A = arith.extui %lt3A_92 : i1 to i32
      %cond3A = arith.constant 0 : i32
      %cond3A_93 = arith.cmpi ne, %convert_element_type3A, %cond3A : i32
      scf.if %cond3A_93 {
        %dma_wait3A_117 = arith.constant 0 : i32
        %dma_wait3A_118 = tpu.memref_slice %arg8[%add3A_77, %dma_wait3A_117] : memref<40x128xi32, #tpu.memory_space<vmem>> -> memref<1x128xi32, #tpu.memory_space<vmem>>
        %dma_wait3A_119 = tpu.memref_squeeze %dma_wait3A_118 : memref<1x128xi32, #tpu.memory_space<vmem>> -> memref<128xi32, #tpu.memory_space<vmem>>
        %dma_wait3A_120 = arith.constant 0 : i32
        %dma_wait3A_121 = arith.constant 0 : i32
        %dma_wait3A_122 = tpu.memref_slice %arg9[%dma_wait3A_120, %dma_wait3A_121] : memref<10112x128xf32, #tpu.memory_space<vmem_shared>> -> memref<10112x128xf32, #tpu.memory_space<vmem_shared>>
        tpu.wait_indirect_dma semaphore(%arg14 : memref<!tpu.dma_semaphore, #tpu.memory_space<semaphore_mem>>) src(%arg10 : memref<128x128xf32, #tpu.memory_space<vmem>>) dst(%dma_wait3A_122 : memref<10112x128xf32, #tpu.memory_space<vmem_shared>>)
        %dma_start3A_123 = arith.constant 0 : i32
        %dma_start3A_124 = tpu.memref_slice %arg7[%add3A_91, %dma_start3A_123] : memref<40x128xi32, #tpu.memory_space<vmem>> -> memref<1x128xi32, #tpu.memory_space<vmem>>
        %dma_start3A_125 = tpu.memref_squeeze %dma_start3A_124 : memref<1x128xi32, #tpu.memory_space<vmem>> -> memref<128xi32, #tpu.memory_space<vmem>>
        %dma_start3A_126 = arith.constant 0 : i32
        %dma_start3A_127 = arith.constant 0 : i32
        %dma_start3A_128 = tpu.memref_slice %arg2[%dma_start3A_126, %dma_start3A_127] : memref<10000x128xf32, #tpu.memory_space<hbm>> -> memref<10000x128xf32, #tpu.memory_space<hbm>>
        tpu.enqueue_indirect_dma source(%dma_start3A_128 : memref<10000x128xf32, #tpu.memory_space<hbm>>) target(%arg10 : memref<128x128xf32, #tpu.memory_space<vmem>>) offsets(%dma_start3A_125 : memref<128xi32, #tpu.memory_space<vmem>>) semaphore(%arg12 : memref<!tpu.dma_semaphore, #tpu.memory_space<semaphore_mem>>)
      } else {
      }
      %mul3A_94 = arith.constant 2 : i32
      %mul3A_95 = arith.muli %scan3A_73, %mul3A_94 : i32
      %add3A_96 = arith.constant 1 : i32
      %add3A_97 = arith.addi %mul3A_95, %add3A_96 : i32
      %dma_wait3A_98 = arith.constant 0 : i32
      %dma_wait3A_99 = tpu.memref_slice %arg7[%add3A_97, %dma_wait3A_98] : memref<40x128xi32, #tpu.memory_space<vmem>> -> memref<1x128xi32, #tpu.memory_space<vmem>>
      %dma_wait3A_100 = tpu.memref_squeeze %dma_wait3A_99 : memref<1x128xi32, #tpu.memory_space<vmem>> -> memref<128xi32, #tpu.memory_space<vmem>>
      %dma_wait3A_101 = arith.constant 0 : i32
      %dma_wait3A_102 = arith.constant 0 : i32
      %dma_wait3A_103 = tpu.memref_slice %arg2[%dma_wait3A_101, %dma_wait3A_102] : memref<10000x128xf32, #tpu.memory_space<hbm>> -> memref<10000x128xf32, #tpu.memory_space<hbm>>
      tpu.wait_indirect_dma semaphore(%arg13 : memref<!tpu.dma_semaphore, #tpu.memory_space<semaphore_mem>>) src(%dma_wait3A_103 : memref<10000x128xf32, #tpu.memory_space<hbm>>) dst(%arg11 : memref<128x128xf32, #tpu.memory_space<vmem>>)
      %dma_start3A_104 = arith.constant 0 : i32
      %dma_start3A_105 = tpu.memref_slice %arg8[%add3A_97, %dma_start3A_104] : memref<40x128xi32, #tpu.memory_space<vmem>> -> memref<1x128xi32, #tpu.memory_space<vmem>>
      %dma_start3A_106 = tpu.memref_squeeze %dma_start3A_105 : memref<1x128xi32, #tpu.memory_space<vmem>> -> memref<128xi32, #tpu.memory_space<vmem>>
      %dma_start3A_107 = arith.constant 0 : i32
      %dma_start3A_108 = arith.constant 0 : i32
      %dma_start3A_109 = tpu.memref_slice %arg9[%dma_start3A_107, %dma_start3A_108] : memref<10112x128xf32, #tpu.memory_space<vmem_shared>> -> memref<10112x128xf32, #tpu.memory_space<vmem_shared>>
      tpu.enqueue_indirect_dma source(%arg11 : memref<128x128xf32, #tpu.memory_space<vmem>>) target(%dma_start3A_109 : memref<10112x128xf32, #tpu.memory_space<vmem_shared>>) offsets(%dma_start3A_106 : memref<128xi32, #tpu.memory_space<vmem>>) semaphore(%arg15 : memref<!tpu.dma_semaphore, #tpu.memory_space<semaphore_mem>>) {add = true}
      %add3A_110 = arith.constant 2 : i32
      %add3A_111 = arith.addi %add3A_97, %add3A_110 : i32
      %lt3A_112 = arith.constant 40 : i32
      %lt3A_113 = arith.cmpi slt, %add3A_111, %lt3A_112 : i32
      %convert_element_type3A_114 = arith.extui %lt3A_113 : i1 to i32
      %cond3A_115 = arith.constant 0 : i32
      %cond3A_116 = arith.cmpi ne, %convert_element_type3A_114, %cond3A_115 : i32
      scf.if %cond3A_116 {
        %dma_wait3A_117 = arith.constant 0 : i32
        %dma_wait3A_118 = tpu.memref_slice %arg8[%add3A_97, %dma_wait3A_117] : memref<40x128xi32, #tpu.memory_space<vmem>> -> memref<1x128xi32, #tpu.memory_space<vmem>>
        %dma_wait3A_119 = tpu.memref_squeeze %dma_wait3A_118 : memref<1x128xi32, #tpu.memory_space<vmem>> -> memref<128xi32, #tpu.memory_space<vmem>>
        %dma_wait3A_120 = arith.constant 0 : i32
        %dma_wait3A_121 = arith.constant 0 : i32
        %dma_wait3A_122 = tpu.memref_slice %arg9[%dma_wait3A_120, %dma_wait3A_121] : memref<10112x128xf32, #tpu.memory_space<vmem_shared>> -> memref<10112x128xf32, #tpu.memory_space<vmem_shared>>
        tpu.wait_indirect_dma semaphore(%arg15 : memref<!tpu.dma_semaphore, #tpu.memory_space<semaphore_mem>>) src(%arg11 : memref<128x128xf32, #tpu.memory_space<vmem>>) dst(%dma_wait3A_122 : memref<10112x128xf32, #tpu.memory_space<vmem_shared>>)
        %dma_start3A_123 = arith.constant 0 : i32
        %dma_start3A_124 = tpu.memref_slice %arg7[%add3A_111, %dma_start3A_123] : memref<40x128xi32, #tpu.memory_space<vmem>> -> memref<1x128xi32, #tpu.memory_space<vmem>>
        %dma_start3A_125 = tpu.memref_squeeze %dma_start3A_124 : memref<1x128xi32, #tpu.memory_space<vmem>> -> memref<128xi32, #tpu.memory_space<vmem>>
        %dma_start3A_126 = arith.constant 0 : i32
        %dma_start3A_127 = arith.constant 0 : i32
        %dma_start3A_128 = tpu.memref_slice %arg2[%dma_start3A_126, %dma_start3A_127] : memref<10000x128xf32, #tpu.memory_space<hbm>> -> memref<10000x128xf32, #tpu.memory_space<hbm>>
        tpu.enqueue_indirect_dma source(%dma_start3A_128 : memref<10000x128xf32, #tpu.memory_space<hbm>>) target(%arg11 : memref<128x128xf32, #tpu.memory_space<vmem>>) offsets(%dma_start3A_125 : memref<128xi32, #tpu.memory_space<vmem>>) semaphore(%arg13 : memref<!tpu.dma_semaphore, #tpu.memory_space<semaphore_mem>>)
      } else {
      }
    }
    %scan3A_20 = arith.constant 20 : i32
    %dma_wait3A = arith.constant 38 : i32
    %dma_wait3A_21 = arith.constant 0 : i32
    %dma_wait3A_22 = tpu.memref_slice %arg8[%dma_wait3A, %dma_wait3A_21] : memref<40x128xi32, #tpu.memory_space<vmem>> -> memref<1x128xi32, #tpu.memory_space<vmem>>
    %dma_wait3A_23 = tpu.memref_squeeze %dma_wait3A_22 : memref<1x128xi32, #tpu.memory_space<vmem>> -> memref<128xi32, #tpu.memory_space<vmem>>
    %dma_wait3A_24 = arith.constant 0 : i32
    %dma_wait3A_25 = arith.constant 0 : i32
    %dma_wait3A_26 = tpu.memref_slice %arg9[%dma_wait3A_24, %dma_wait3A_25] : memref<10112x128xf32, #tpu.memory_space<vmem_shared>> -> memref<10112x128xf32, #tpu.memory_space<vmem_shared>>
    tpu.wait_indirect_dma semaphore(%arg14 : memref<!tpu.dma_semaphore, #tpu.memory_space<semaphore_mem>>) src(%arg10 : memref<128x128xf32, #tpu.memory_space<vmem>>) dst(%dma_wait3A_26 : memref<10112x128xf32, #tpu.memory_space<vmem_shared>>)
    %dma_wait3A_27 = arith.constant 39 : i32
    %dma_wait3A_28 = arith.constant 0 : i32
    %dma_wait3A_29 = tpu.memref_slice %arg8[%dma_wait3A_27, %dma_wait3A_28] : memref<40x128xi32, #tpu.memory_space<vmem>> -> memref<1x128xi32, #tpu.memory_space<vmem>>
    %dma_wait3A_30 = tpu.memref_squeeze %dma_wait3A_29 : memref<1x128xi32, #tpu.memory_space<vmem>> -> memref<128xi32, #tpu.memory_space<vmem>>
    %dma_wait3A_31 = arith.constant 0 : i32
    %dma_wait3A_32 = arith.constant 0 : i32
    %dma_wait3A_33 = tpu.memref_slice %arg9[%dma_wait3A_31, %dma_wait3A_32] : memref<10112x128xf32, #tpu.memory_space<vmem_shared>> -> memref<10112x128xf32, #tpu.memory_space<vmem_shared>>
    tpu.wait_indirect_dma semaphore(%arg15 : memref<!tpu.dma_semaphore, #tpu.memory_space<semaphore_mem>>) src(%arg11 : memref<128x128xf32, #tpu.memory_space<vmem>>) dst(%dma_wait3A_33 : memref<10112x128xf32, #tpu.memory_space<vmem_shared>>)
    "tpu.region"() ({
      %run_scoped3A = tpu.sem_alloc : memref<!tpu.dma_semaphore, #tpu.memory_space<semaphore_mem>>
      %dma_start3A_73 = arith.constant 40 : i32
      %dma_start3A_74 = arith.constant 0 : i32
      %dma_start3A_75 = tpu.memref_slice %arg3[%add3A, %dma_start3A_73, %dma_start3A_74] : memref<32x80x128xi32, #tpu.memory_space<hbm>> -> memref<1x40x128xi32, #tpu.memory_space<hbm>>
      %dma_start3A_76 = tpu.memref_squeeze %dma_start3A_75 : memref<1x40x128xi32, #tpu.memory_space<hbm>> -> memref<40x128xi32, #tpu.memory_space<hbm>>
      %dma_start3A_77 = arith.constant 40 : i32
      %dma_start3A_78 = arith.constant 0 : i32
      %dma_start3A_79 = tpu.memref_slice %arg3[%add3A, %dma_start3A_77, %dma_start3A_78] : memref<32x80x128xi32, #tpu.memory_space<hbm>> -> memref<1x40x128xi32, #tpu.memory_space<hbm>>
      %dma_start3A_80 = tpu.memref_squeeze %dma_start3A_79 : memref<1x40x128xi32, #tpu.memory_space<hbm>> -> memref<40x128xi32, #tpu.memory_space<hbm>>
      tpu.enqueue_dma source(%dma_start3A_80 : memref<40x128xi32, #tpu.memory_space<hbm>>) target(%arg7 : memref<40x128xi32, #tpu.memory_space<vmem>>) target_semaphore(%run_scoped3A : memref<!tpu.dma_semaphore, #tpu.memory_space<semaphore_mem>>)
      %dma_wait3A_81 = arith.constant 40 : i32
      %dma_wait3A_82 = arith.constant 0 : i32
      %dma_wait3A_83 = tpu.memref_slice %arg3[%add3A, %dma_wait3A_81, %dma_wait3A_82] : memref<32x80x128xi32, #tpu.memory_space<hbm>> -> memref<1x40x128xi32, #tpu.memory_space<hbm>>
      %dma_wait3A_84 = tpu.memref_squeeze %dma_wait3A_83 : memref<1x40x128xi32, #tpu.memory_space<hbm>> -> memref<40x128xi32, #tpu.memory_space<hbm>>
      %dma_wait3A_85 = arith.constant 40 : i32
      %dma_wait3A_86 = arith.constant 0 : i32
      %dma_wait3A_87 = tpu.memref_slice %arg3[%add3A, %dma_wait3A_85, %dma_wait3A_86] : memref<32x80x128xi32, #tpu.memory_space<hbm>> -> memref<1x40x128xi32, #tpu.memory_space<hbm>>
      %dma_wait3A_88 = tpu.memref_squeeze %dma_wait3A_87 : memref<1x40x128xi32, #tpu.memory_space<hbm>> -> memref<40x128xi32, #tpu.memory_space<hbm>>
      tpu.wait_dma2 semaphore(%run_scoped3A : memref<!tpu.dma_semaphore, #tpu.memory_space<semaphore_mem>>) src(%dma_wait3A_88 : memref<40x128xi32, #tpu.memory_space<hbm>>) dst(%arg7 : memref<40x128xi32, #tpu.memory_space<vmem>>)
      tpu.yield
    }) : () -> ()
    "tpu.region"() ({
      %run_scoped3A = tpu.sem_alloc : memref<!tpu.dma_semaphore, #tpu.memory_space<semaphore_mem>>
      %dma_start3A_73 = arith.constant 40 : i32
      %dma_start3A_74 = arith.constant 0 : i32
      %dma_start3A_75 = tpu.memref_slice %arg4[%add3A, %dma_start3A_73, %dma_start3A_74] : memref<32x80x128xi32, #tpu.memory_space<hbm>> -> memref<1x40x128xi32, #tpu.memory_space<hbm>>
      %dma_start3A_76 = tpu.memref_squeeze %dma_start3A_75 : memref<1x40x128xi32, #tpu.memory_space<hbm>> -> memref<40x128xi32, #tpu.memory_space<hbm>>
      %dma_start3A_77 = arith.constant 40 : i32
      %dma_start3A_78 = arith.constant 0 : i32
      %dma_start3A_79 = tpu.memref_slice %arg4[%add3A, %dma_start3A_77, %dma_start3A_78] : memref<32x80x128xi32, #tpu.memory_space<hbm>> -> memref<1x40x128xi32, #tpu.memory_space<hbm>>
      %dma_start3A_80 = tpu.memref_squeeze %dma_start3A_79 : memref<1x40x128xi32, #tpu.memory_space<hbm>> -> memref<40x128xi32, #tpu.memory_space<hbm>>
      tpu.enqueue_dma source(%dma_start3A_80 : memref<40x128xi32, #tpu.memory_space<hbm>>) target(%arg8 : memref<40x128xi32, #tpu.memory_space<vmem>>) target_semaphore(%run_scoped3A : memref<!tpu.dma_semaphore, #tpu.memory_space<semaphore_mem>>)
      %dma_wait3A_81 = arith.constant 40 : i32
      %dma_wait3A_82 = arith.constant 0 : i32
      %dma_wait3A_83 = tpu.memref_slice %arg4[%add3A, %dma_wait3A_81, %dma_wait3A_82] : memref<32x80x128xi32, #tpu.memory_space<hbm>> -> memref<1x40x128xi32, #tpu.memory_space<hbm>>
      %dma_wait3A_84 = tpu.memref_squeeze %dma_wait3A_83 : memref<1x40x128xi32, #tpu.memory_space<hbm>> -> memref<40x128xi32, #tpu.memory_space<hbm>>
      %dma_wait3A_85 = arith.constant 40 : i32
      %dma_wait3A_86 = arith.constant 0 : i32
      %dma_wait3A_87 = tpu.memref_slice %arg4[%add3A, %dma_wait3A_85, %dma_wait3A_86] : memref<32x80x128xi32, #tpu.memory_space<hbm>> -> memref<1x40x128xi32, #tpu.memory_space<hbm>>
      %dma_wait3A_88 = tpu.memref_squeeze %dma_wait3A_87 : memref<1x40x128xi32, #tpu.memory_space<hbm>> -> memref<40x128xi32, #tpu.memory_space<hbm>>
      tpu.wait_dma2 semaphore(%run_scoped3A : memref<!tpu.dma_semaphore, #tpu.memory_space<semaphore_mem>>) src(%dma_wait3A_88 : memref<40x128xi32, #tpu.memory_space<hbm>>) dst(%arg8 : memref<40x128xi32, #tpu.memory_space<vmem>>)
      tpu.yield
    }) : () -> ()
    %dma_start3A_34 = arith.constant 0 : i32
    %dma_start3A_35 = arith.constant 0 : i32
    %dma_start3A_36 = tpu.memref_slice %arg7[%dma_start3A_34, %dma_start3A_35] : memref<40x128xi32, #tpu.memory_space<vmem>> -> memref<1x128xi32, #tpu.memory_space<vmem>>
    %dma_start3A_37 = tpu.memref_squeeze %dma_start3A_36 : memref<1x128xi32, #tpu.memory_space<vmem>> -> memref<128xi32, #tpu.memory_space<vmem>>
    %dma_start3A_38 = arith.constant 0 : i32
    %dma_start3A_39 = arith.constant 0 : i32
    %dma_start3A_40 = tpu.memref_slice %arg2[%dma_start3A_38, %dma_start3A_39] : memref<10000x128xf32, #tpu.memory_space<hbm>> -> memref<10000x128xf32, #tpu.memory_space<hbm>>
    tpu.enqueue_indirect_dma source(%dma_start3A_40 : memref<10000x128xf32, #tpu.memory_space<hbm>>) target(%arg10 : memref<128x128xf32, #tpu.memory_space<vmem>>) offsets(%dma_start3A_37 : memref<128xi32, #tpu.memory_space<vmem>>) semaphore(%arg12 : memref<!tpu.dma_semaphore, #tpu.memory_space<semaphore_mem>>)
    %dma_start3A_41 = arith.constant 1 : i32
    %dma_start3A_42 = arith.constant 0 : i32
    %dma_start3A_43 = tpu.memref_slice %arg7[%dma_start3A_41, %dma_start3A_42] : memref<40x128xi32, #tpu.memory_space<vmem>> -> memref<1x128xi32, #tpu.memory_space<vmem>>
    %dma_start3A_44 = tpu.memref_squeeze %dma_start3A_43 : memref<1x128xi32, #tpu.memory_space<vmem>> -> memref<128xi32, #tpu.memory_space<vmem>>
    %dma_start3A_45 = arith.constant 0 : i32
    %dma_start3A_46 = arith.constant 0 : i32
    %dma_start3A_47 = tpu.memref_slice %arg2[%dma_start3A_45, %dma_start3A_46] : memref<10000x128xf32, #tpu.memory_space<hbm>> -> memref<10000x128xf32, #tpu.memory_space<hbm>>
    tpu.enqueue_indirect_dma source(%dma_start3A_47 : memref<10000x128xf32, #tpu.memory_space<hbm>>) target(%arg11 : memref<128x128xf32, #tpu.memory_space<vmem>>) offsets(%dma_start3A_44 : memref<128xi32, #tpu.memory_space<vmem>>) semaphore(%arg13 : memref<!tpu.dma_semaphore, #tpu.memory_space<semaphore_mem>>)
    %scan3A_48 = arith.constant 0 : i32
    %scan3A_49 = arith.constant 0 : i32
    %scan3A_50 = arith.constant 20 : i32
    %scan3A_51 = arith.addi %scan3A_49, %scan3A_50 : i32
    %scan3A_52 = arith.constant 1 : i32
    scf.for %scan3A_73 = %scan3A_49 to %scan3A_51 step %scan3A_52  : i32 {
      %mul3A_74 = arith.constant 2 : i32
      %mul3A_75 = arith.muli %scan3A_73, %mul3A_74 : i32
      %add3A_76 = arith.constant 0 : i32
      %add3A_77 = arith.addi %mul3A_75, %add3A_76 : i32
      %dma_wait3A_78 = arith.constant 0 : i32
      %dma_wait3A_79 = tpu.memref_slice %arg7[%add3A_77, %dma_wait3A_78] : memref<40x128xi32, #tpu.memory_space<vmem>> -> memref<1x128xi32, #tpu.memory_space<vmem>>
      %dma_wait3A_80 = tpu.memref_squeeze %dma_wait3A_79 : memref<1x128xi32, #tpu.memory_space<vmem>> -> memref<128xi32, #tpu.memory_space<vmem>>
      %dma_wait3A_81 = arith.constant 0 : i32
      %dma_wait3A_82 = arith.constant 0 : i32
      %dma_wait3A_83 = tpu.memref_slice %arg2[%dma_wait3A_81, %dma_wait3A_82] : memref<10000x128xf32, #tpu.memory_space<hbm>> -> memref<10000x128xf32, #tpu.memory_space<hbm>>
      tpu.wait_indirect_dma semaphore(%arg12 : memref<!tpu.dma_semaphore, #tpu.memory_space<semaphore_mem>>) src(%dma_wait3A_83 : memref<10000x128xf32, #tpu.memory_space<hbm>>) dst(%arg10 : memref<128x128xf32, #tpu.memory_space<vmem>>)
      %dma_start3A_84 = arith.constant 0 : i32
      %dma_start3A_85 = tpu.memref_slice %arg8[%add3A_77, %dma_start3A_84] : memref<40x128xi32, #tpu.memory_space<vmem>> -> memref<1x128xi32, #tpu.memory_space<vmem>>
      %dma_start3A_86 = tpu.memref_squeeze %dma_start3A_85 : memref<1x128xi32, #tpu.memory_space<vmem>> -> memref<128xi32, #tpu.memory_space<vmem>>
      %dma_start3A_87 = arith.constant 0 : i32
      %dma_start3A_88 = arith.constant 0 : i32
      %dma_start3A_89 = tpu.memref_slice %arg9[%dma_start3A_87, %dma_start3A_88] : memref<10112x128xf32, #tpu.memory_space<vmem_shared>> -> memref<10112x128xf32, #tpu.memory_space<vmem_shared>>
      tpu.enqueue_indirect_dma source(%arg10 : memref<128x128xf32, #tpu.memory_space<vmem>>) target(%dma_start3A_89 : memref<10112x128xf32, #tpu.memory_space<vmem_shared>>) offsets(%dma_start3A_86 : memref<128xi32, #tpu.memory_space<vmem>>) semaphore(%arg14 : memref<!tpu.dma_semaphore, #tpu.memory_space<semaphore_mem>>) {add = true}
      %add3A_90 = arith.constant 2 : i32
      %add3A_91 = arith.addi %add3A_77, %add3A_90 : i32
      %lt3A = arith.constant 40 : i32
      %lt3A_92 = arith.cmpi slt, %add3A_91, %lt3A : i32
      %convert_element_type3A = arith.extui %lt3A_92 : i1 to i32
      %cond3A = arith.constant 0 : i32
      %cond3A_93 = arith.cmpi ne, %convert_element_type3A, %cond3A : i32
      scf.if %cond3A_93 {
        %dma_wait3A_117 = arith.constant 0 : i32
        %dma_wait3A_118 = tpu.memref_slice %arg8[%add3A_77, %dma_wait3A_117] : memref<40x128xi32, #tpu.memory_space<vmem>> -> memref<1x128xi32, #tpu.memory_space<vmem>>
        %dma_wait3A_119 = tpu.memref_squeeze %dma_wait3A_118 : memref<1x128xi32, #tpu.memory_space<vmem>> -> memref<128xi32, #tpu.memory_space<vmem>>
        %dma_wait3A_120 = arith.constant 0 : i32
        %dma_wait3A_121 = arith.constant 0 : i32
        %dma_wait3A_122 = tpu.memref_slice %arg9[%dma_wait3A_120, %dma_wait3A_121] : memref<10112x128xf32, #tpu.memory_space<vmem_shared>> -> memref<10112x128xf32, #tpu.memory_space<vmem_shared>>
        tpu.wait_indirect_dma semaphore(%arg14 : memref<!tpu.dma_semaphore, #tpu.memory_space<semaphore_mem>>) src(%arg10 : memref<128x128xf32, #tpu.memory_space<vmem>>) dst(%dma_wait3A_122 : memref<10112x128xf32, #tpu.memory_space<vmem_shared>>)
        %dma_start3A_123 = arith.constant 0 : i32
        %dma_start3A_124 = tpu.memref_slice %arg7[%add3A_91, %dma_start3A_123] : memref<40x128xi32, #tpu.memory_space<vmem>> -> memref<1x128xi32, #tpu.memory_space<vmem>>
        %dma_start3A_125 = tpu.memref_squeeze %dma_start3A_124 : memref<1x128xi32, #tpu.memory_space<vmem>> -> memref<128xi32, #tpu.memory_space<vmem>>
        %dma_start3A_126 = arith.constant 0 : i32
        %dma_start3A_127 = arith.constant 0 : i32
        %dma_start3A_128 = tpu.memref_slice %arg2[%dma_start3A_126, %dma_start3A_127] : memref<10000x128xf32, #tpu.memory_space<hbm>> -> memref<10000x128xf32, #tpu.memory_space<hbm>>
        tpu.enqueue_indirect_dma source(%dma_start3A_128 : memref<10000x128xf32, #tpu.memory_space<hbm>>) target(%arg10 : memref<128x128xf32, #tpu.memory_space<vmem>>) offsets(%dma_start3A_125 : memref<128xi32, #tpu.memory_space<vmem>>) semaphore(%arg12 : memref<!tpu.dma_semaphore, #tpu.memory_space<semaphore_mem>>)
      } else {
      }
      %mul3A_94 = arith.constant 2 : i32
      %mul3A_95 = arith.muli %scan3A_73, %mul3A_94 : i32
      %add3A_96 = arith.constant 1 : i32
      %add3A_97 = arith.addi %mul3A_95, %add3A_96 : i32
      %dma_wait3A_98 = arith.constant 0 : i32
      %dma_wait3A_99 = tpu.memref_slice %arg7[%add3A_97, %dma_wait3A_98] : memref<40x128xi32, #tpu.memory_space<vmem>> -> memref<1x128xi32, #tpu.memory_space<vmem>>
      %dma_wait3A_100 = tpu.memref_squeeze %dma_wait3A_99 : memref<1x128xi32, #tpu.memory_space<vmem>> -> memref<128xi32, #tpu.memory_space<vmem>>
      %dma_wait3A_101 = arith.constant 0 : i32
      %dma_wait3A_102 = arith.constant 0 : i32
      %dma_wait3A_103 = tpu.memref_slice %arg2[%dma_wait3A_101, %dma_wait3A_102] : memref<10000x128xf32, #tpu.memory_space<hbm>> -> memref<10000x128xf32, #tpu.memory_space<hbm>>
      tpu.wait_indirect_dma semaphore(%arg13 : memref<!tpu.dma_semaphore, #tpu.memory_space<semaphore_mem>>) src(%dma_wait3A_103 : memref<10000x128xf32, #tpu.memory_space<hbm>>) dst(%arg11 : memref<128x128xf32, #tpu.memory_space<vmem>>)
      %dma_start3A_104 = arith.constant 0 : i32
      %dma_start3A_105 = tpu.memref_slice %arg8[%add3A_97, %dma_start3A_104] : memref<40x128xi32, #tpu.memory_space<vmem>> -> memref<1x128xi32, #tpu.memory_space<vmem>>
      %dma_start3A_106 = tpu.memref_squeeze %dma_start3A_105 : memref<1x128xi32, #tpu.memory_space<vmem>> -> memref<128xi32, #tpu.memory_space<vmem>>
      %dma_start3A_107 = arith.constant 0 : i32
      %dma_start3A_108 = arith.constant 0 : i32
      %dma_start3A_109 = tpu.memref_slice %arg9[%dma_start3A_107, %dma_start3A_108] : memref<10112x128xf32, #tpu.memory_space<vmem_shared>> -> memref<10112x128xf32, #tpu.memory_space<vmem_shared>>
      tpu.enqueue_indirect_dma source(%arg11 : memref<128x128xf32, #tpu.memory_space<vmem>>) target(%dma_start3A_109 : memref<10112x128xf32, #tpu.memory_space<vmem_shared>>) offsets(%dma_start3A_106 : memref<128xi32, #tpu.memory_space<vmem>>) semaphore(%arg15 : memref<!tpu.dma_semaphore, #tpu.memory_space<semaphore_mem>>) {add = true}
      %add3A_110 = arith.constant 2 : i32
      %add3A_111 = arith.addi %add3A_97, %add3A_110 : i32
      %lt3A_112 = arith.constant 40 : i32
      %lt3A_113 = arith.cmpi slt, %add3A_111, %lt3A_112 : i32
      %convert_element_type3A_114 = arith.extui %lt3A_113 : i1 to i32
      %cond3A_115 = arith.constant 0 : i32
      %cond3A_116 = arith.cmpi ne, %convert_element_type3A_114, %cond3A_115 : i32
      scf.if %cond3A_116 {
        %dma_wait3A_117 = arith.constant 0 : i32
        %dma_wait3A_118 = tpu.memref_slice %arg8[%add3A_97, %dma_wait3A_117] : memref<40x128xi32, #tpu.memory_space<vmem>> -> memref<1x128xi32, #tpu.memory_space<vmem>>
        %dma_wait3A_119 = tpu.memref_squeeze %dma_wait3A_118 : memref<1x128xi32, #tpu.memory_space<vmem>> -> memref<128xi32, #tpu.memory_space<vmem>>
        %dma_wait3A_120 = arith.constant 0 : i32
        %dma_wait3A_121 = arith.constant 0 : i32
        %dma_wait3A_122 = tpu.memref_slice %arg9[%dma_wait3A_120, %dma_wait3A_121] : memref<10112x128xf32, #tpu.memory_space<vmem_shared>> -> memref<10112x128xf32, #tpu.memory_space<vmem_shared>>
        tpu.wait_indirect_dma semaphore(%arg15 : memref<!tpu.dma_semaphore, #tpu.memory_space<semaphore_mem>>) src(%arg11 : memref<128x128xf32, #tpu.memory_space<vmem>>) dst(%dma_wait3A_122 : memref<10112x128xf32, #tpu.memory_space<vmem_shared>>)
        %dma_start3A_123 = arith.constant 0 : i32
        %dma_start3A_124 = tpu.memref_slice %arg7[%add3A_111, %dma_start3A_123] : memref<40x128xi32, #tpu.memory_space<vmem>> -> memref<1x128xi32, #tpu.memory_space<vmem>>
        %dma_start3A_125 = tpu.memref_squeeze %dma_start3A_124 : memref<1x128xi32, #tpu.memory_space<vmem>> -> memref<128xi32, #tpu.memory_space<vmem>>
        %dma_start3A_126 = arith.constant 0 : i32
        %dma_start3A_127 = arith.constant 0 : i32
        %dma_start3A_128 = tpu.memref_slice %arg2[%dma_start3A_126, %dma_start3A_127] : memref<10000x128xf32, #tpu.memory_space<hbm>> -> memref<10000x128xf32, #tpu.memory_space<hbm>>
        tpu.enqueue_indirect_dma source(%dma_start3A_128 : memref<10000x128xf32, #tpu.memory_space<hbm>>) target(%arg11 : memref<128x128xf32, #tpu.memory_space<vmem>>) offsets(%dma_start3A_125 : memref<128xi32, #tpu.memory_space<vmem>>) semaphore(%arg13 : memref<!tpu.dma_semaphore, #tpu.memory_space<semaphore_mem>>)
      } else {
      }
    }
    %scan3A_53 = arith.constant 20 : i32
    %dma_wait3A_54 = arith.constant 38 : i32
    %dma_wait3A_55 = arith.constant 0 : i32
    %dma_wait3A_56 = tpu.memref_slice %arg8[%dma_wait3A_54, %dma_wait3A_55] : memref<40x128xi32, #tpu.memory_space<vmem>> -> memref<1x128xi32, #tpu.memory_space<vmem>>
    %dma_wait3A_57 = tpu.memref_squeeze %dma_wait3A_56 : memref<1x128xi32, #tpu.memory_space<vmem>> -> memref<128xi32, #tpu.memory_space<vmem>>
    %dma_wait3A_58 = arith.constant 0 : i32
    %dma_wait3A_59 = arith.constant 0 : i32
    %dma_wait3A_60 = tpu.memref_slice %arg9[%dma_wait3A_58, %dma_wait3A_59] : memref<10112x128xf32, #tpu.memory_space<vmem_shared>> -> memref<10112x128xf32, #tpu.memory_space<vmem_shared>>
    tpu.wait_indirect_dma semaphore(%arg14 : memref<!tpu.dma_semaphore, #tpu.memory_space<semaphore_mem>>) src(%arg10 : memref<128x128xf32, #tpu.memory_space<vmem>>) dst(%dma_wait3A_60 : memref<10112x128xf32, #tpu.memory_space<vmem_shared>>)
    %dma_wait3A_61 = arith.constant 39 : i32
    %dma_wait3A_62 = arith.constant 0 : i32
    %dma_wait3A_63 = tpu.memref_slice %arg8[%dma_wait3A_61, %dma_wait3A_62] : memref<40x128xi32, #tpu.memory_space<vmem>> -> memref<1x128xi32, #tpu.memory_space<vmem>>
    %dma_wait3A_64 = tpu.memref_squeeze %dma_wait3A_63 : memref<1x128xi32, #tpu.memory_space<vmem>> -> memref<128xi32, #tpu.memory_space<vmem>>
    %dma_wait3A_65 = arith.constant 0 : i32
    %dma_wait3A_66 = arith.constant 0 : i32
    %dma_wait3A_67 = tpu.memref_slice %arg9[%dma_wait3A_65, %dma_wait3A_66] : memref<10112x128xf32, #tpu.memory_space<vmem_shared>> -> memref<10112x128xf32, #tpu.memory_space<vmem_shared>>
    tpu.wait_indirect_dma semaphore(%arg15 : memref<!tpu.dma_semaphore, #tpu.memory_space<semaphore_mem>>) src(%arg11 : memref<128x128xf32, #tpu.memory_space<vmem>>) dst(%dma_wait3A_67 : memref<10112x128xf32, #tpu.memory_space<vmem_shared>>)
    %barrier3A_68 = arith.constant 0 : index
    tpu.barrier barrier_id(%barrier3A_68)
    %mul3A_69 = arith.constant 632 : i32
    %mul3A_70 = arith.muli %arg1, %mul3A_69 : i32
    %mul3A_71 = arith.constant 632 : i32
    %mul3A_72 = arith.muli %arg1, %mul3A_71 : i32
    "tpu.region"() ({
      %run_scoped3A = tpu.sem_alloc : memref<!tpu.dma_semaphore, #tpu.memory_space<semaphore_mem>>
      %dma_start3A_73 = arith.constant 0 : i32
      %dma_start3A_74 = tpu.memref_slice %arg6[%arg0, %mul3A_72, %dma_start3A_73] : memref<2x10112x128xf32, #tpu.memory_space<hbm>> -> memref<1x632x128xf32, #tpu.memory_space<hbm>>
      %dma_start3A_75 = tpu.memref_squeeze %dma_start3A_74 : memref<1x632x128xf32, #tpu.memory_space<hbm>> -> memref<632x128xf32, #tpu.memory_space<hbm>>
      %dma_start3A_76 = arith.constant 0 : i32
      %dma_start3A_77 = tpu.memref_slice %arg9[%mul3A_70, %dma_start3A_76] : memref<10112x128xf32, #tpu.memory_space<vmem_shared>> -> memref<632x128xf32, #tpu.memory_space<vmem_shared>>
      tpu.enqueue_dma source(%dma_start3A_77 : memref<632x128xf32, #tpu.memory_space<vmem_shared>>) target(%dma_start3A_75 : memref<632x128xf32, #tpu.memory_space<hbm>>) target_semaphore(%run_scoped3A : memref<!tpu.dma_semaphore, #tpu.memory_space<semaphore_mem>>)
      %dma_wait3A_78 = arith.constant 0 : i32
      %dma_wait3A_79 = tpu.memref_slice %arg6[%arg0, %mul3A_72, %dma_wait3A_78] : memref<2x10112x128xf32, #tpu.memory_space<hbm>> -> memref<1x632x128xf32, #tpu.memory_space<hbm>>
      %dma_wait3A_80 = tpu.memref_squeeze %dma_wait3A_79 : memref<1x632x128xf32, #tpu.memory_space<hbm>> -> memref<632x128xf32, #tpu.memory_space<hbm>>
      %dma_wait3A_81 = arith.constant 0 : i32
      %dma_wait3A_82 = tpu.memref_slice %arg9[%mul3A_70, %dma_wait3A_81] : memref<10112x128xf32, #tpu.memory_space<vmem_shared>> -> memref<632x128xf32, #tpu.memory_space<vmem_shared>>
      tpu.wait_dma2 semaphore(%run_scoped3A : memref<!tpu.dma_semaphore, #tpu.memory_space<semaphore_mem>>) src(%dma_wait3A_82 : memref<632x128xf32, #tpu.memory_space<vmem_shared>>) dst(%dma_wait3A_80 : memref<632x128xf32, #tpu.memory_space<hbm>>)
      tpu.yield
    }) : () -> ()
    return
  }
}

#map = affine_map<(d0, d1) -> (0, 0)>
#map1 = affine_map<(d0, d1) -> (0, 0, 0)>
module attributes {stable_mosaic.version = 14 : i64} {
  func.func @_seg_sum_body(%arg0: i32, %arg1: i32, %arg2: memref<10000x128xf32, #tpu.memory_space<hbm>>, %arg3: memref<32x80x128xi32, #tpu.memory_space<hbm>>, %arg4: memref<32x80x128xi32, #tpu.memory_space<hbm>>, %arg5: memref<632x128xf32, #tpu.memory_space<hbm>>, %arg6: memref<2x10112x128xf32, #tpu.memory_space<hbm>>, %arg7: memref<40x128xi32, #tpu.memory_space<vmem>>, %arg8: memref<40x128xi32, #tpu.memory_space<vmem>>, %arg9: memref<10112x128xf32, #tpu.memory_space<vmem_shared>>, %arg10: memref<128x128xf32, #tpu.memory_space<vmem>>, %arg11: memref<128x128xf32, #tpu.memory_space<vmem>>, %arg12: memref<!tpu.dma_semaphore, #tpu.memory_space<semaphore_mem>>, %arg13: memref<!tpu.dma_semaphore, #tpu.memory_space<semaphore_mem>>, %arg14: memref<!tpu.dma_semaphore, #tpu.memory_space<semaphore_mem>>, %arg15: memref<!tpu.dma_semaphore, #tpu.memory_space<semaphore_mem>>) attributes {dimension_semantics = [#tpu.dimension_semantics<core_parallel>, #tpu.dimension_semantics<subcore_parallel>], iteration_bounds = array<i64: 2, 16>, scalar_prefetch = 0 : i64, scratch_operands = 9 : i64, tpu.core_type = #tpu.core_type<sc_vector_subcore>, window_params = [{transform_indices = #map}, {transform_indices = #map1}, {transform_indices = #map1}, {transform_indices = #map}, {transform_indices = #map1}]} {
    %mul3A = arith.constant 2 : i32
    %mul3A_0 = arith.muli %arg1, %mul3A : i32
    %add3A = arith.addi %mul3A_0, %arg0 : i32
    %mul3A_1 = arith.constant 632 : i32
    %mul3A_2 = arith.muli %arg1, %mul3A_1 : i32
    "tpu.region"() ({
      %run_scoped3A = tpu.sem_alloc : memref<!tpu.dma_semaphore, #tpu.memory_space<semaphore_mem>>
      %dma_start3A_73 = arith.constant 0 : i32
      %dma_start3A_74 = tpu.memref_slice %arg9[%mul3A_2, %dma_start3A_73] : memref<10112x128xf32, #tpu.memory_space<vmem_shared>> -> memref<632x128xf32, #tpu.memory_space<vmem_shared>>
      tpu.enqueue_dma source(%arg5 : memref<632x128xf32, #tpu.memory_space<hbm>>) target(%dma_start3A_74 : memref<632x128xf32, #tpu.memory_space<vmem_shared>>) target_semaphore(%run_scoped3A : memref<!tpu.dma_semaphore, #tpu.memory_space<semaphore_mem>>)
      %dma_wait3A_75 = arith.constant 0 : i32
      %dma_wait3A_76 = tpu.memref_slice %arg9[%mul3A_2, %dma_wait3A_75] : memref<10112x128xf32, #tpu.memory_space<vmem_shared>> -> memref<632x128xf32, #tpu.memory_space<vmem_shared>>
      tpu.wait_dma2 semaphore(%run_scoped3A : memref<!tpu.dma_semaphore, #tpu.memory_space<semaphore_mem>>) src(%arg5 : memref<632x128xf32, #tpu.memory_space<hbm>>) dst(%dma_wait3A_76 : memref<632x128xf32, #tpu.memory_space<vmem_shared>>)
      tpu.yield
    }) : () -> ()
    %barrier3A = arith.constant 0 : index
    tpu.barrier barrier_id(%barrier3A)
    "tpu.region"() ({
      %run_scoped3A = tpu.sem_alloc : memref<!tpu.dma_semaphore, #tpu.memory_space<semaphore_mem>>
      %dma_start3A_73 = arith.constant 0 : i32
      %dma_start3A_74 = arith.constant 0 : i32
      %dma_start3A_75 = tpu.memref_slice %arg3[%add3A, %dma_start3A_73, %dma_start3A_74] : memref<32x80x128xi32, #tpu.memory_space<hbm>> -> memref<1x40x128xi32, #tpu.memory_space<hbm>>
      %dma_start3A_76 = tpu.memref_squeeze %dma_start3A_75 : memref<1x40x128xi32, #tpu.memory_space<hbm>> -> memref<40x128xi32, #tpu.memory_space<hbm>>
      %dma_start3A_77 = arith.constant 0 : i32
      %dma_start3A_78 = arith.constant 0 : i32
      %dma_start3A_79 = tpu.memref_slice %arg3[%add3A, %dma_start3A_77, %dma_start3A_78] : memref<32x80x128xi32, #tpu.memory_space<hbm>> -> memref<1x40x128xi32, #tpu.memory_space<hbm>>
      %dma_start3A_80 = tpu.memref_squeeze %dma_start3A_79 : memref<1x40x128xi32, #tpu.memory_space<hbm>> -> memref<40x128xi32, #tpu.memory_space<hbm>>
      tpu.enqueue_dma source(%dma_start3A_80 : memref<40x128xi32, #tpu.memory_space<hbm>>) target(%arg7 : memref<40x128xi32, #tpu.memory_space<vmem>>) target_semaphore(%run_scoped3A : memref<!tpu.dma_semaphore, #tpu.memory_space<semaphore_mem>>)
      %dma_wait3A_81 = arith.constant 0 : i32
      %dma_wait3A_82 = arith.constant 0 : i32
      %dma_wait3A_83 = tpu.memref_slice %arg3[%add3A, %dma_wait3A_81, %dma_wait3A_82] : memref<32x80x128xi32, #tpu.memory_space<hbm>> -> memref<1x40x128xi32, #tpu.memory_space<hbm>>
      %dma_wait3A_84 = tpu.memref_squeeze %dma_wait3A_83 : memref<1x40x128xi32, #tpu.memory_space<hbm>> -> memref<40x128xi32, #tpu.memory_space<hbm>>
      %dma_wait3A_85 = arith.constant 0 : i32
      %dma_wait3A_86 = arith.constant 0 : i32
      %dma_wait3A_87 = tpu.memref_slice %arg3[%add3A, %dma_wait3A_85, %dma_wait3A_86] : memref<32x80x128xi32, #tpu.memory_space<hbm>> -> memref<1x40x128xi32, #tpu.memory_space<hbm>>
      %dma_wait3A_88 = tpu.memref_squeeze %dma_wait3A_87 : memref<1x40x128xi32, #tpu.memory_space<hbm>> -> memref<40x128xi32, #tpu.memory_space<hbm>>
      tpu.wait_dma2 semaphore(%run_scoped3A : memref<!tpu.dma_semaphore, #tpu.memory_space<semaphore_mem>>) src(%dma_wait3A_88 : memref<40x128xi32, #tpu.memory_space<hbm>>) dst(%arg7 : memref<40x128xi32, #tpu.memory_space<vmem>>)
      tpu.yield
    }) : () -> ()
    "tpu.region"() ({
      %run_scoped3A = tpu.sem_alloc : memref<!tpu.dma_semaphore, #tpu.memory_space<semaphore_mem>>
      %dma_start3A_73 = arith.constant 0 : i32
      %dma_start3A_74 = arith.constant 0 : i32
      %dma_start3A_75 = tpu.memref_slice %arg4[%add3A, %dma_start3A_73, %dma_start3A_74] : memref<32x80x128xi32, #tpu.memory_space<hbm>> -> memref<1x40x128xi32, #tpu.memory_space<hbm>>
      %dma_start3A_76 = tpu.memref_squeeze %dma_start3A_75 : memref<1x40x128xi32, #tpu.memory_space<hbm>> -> memref<40x128xi32, #tpu.memory_space<hbm>>
      %dma_start3A_77 = arith.constant 0 : i32
      %dma_start3A_78 = arith.constant 0 : i32
      %dma_start3A_79 = tpu.memref_slice %arg4[%add3A, %dma_start3A_77, %dma_start3A_78] : memref<32x80x128xi32, #tpu.memory_space<hbm>> -> memref<1x40x128xi32, #tpu.memory_space<hbm>>
      %dma_start3A_80 = tpu.memref_squeeze %dma_start3A_79 : memref<1x40x128xi32, #tpu.memory_space<hbm>> -> memref<40x128xi32, #tpu.memory_space<hbm>>
      tpu.enqueue_dma source(%dma_start3A_80 : memref<40x128xi32, #tpu.memory_space<hbm>>) target(%arg8 : memref<40x128xi32, #tpu.memory_space<vmem>>) target_semaphore(%run_scoped3A : memref<!tpu.dma_semaphore, #tpu.memory_space<semaphore_mem>>)
      %dma_wait3A_81 = arith.constant 0 : i32
      %dma_wait3A_82 = arith.constant 0 : i32
      %dma_wait3A_83 = tpu.memref_slice %arg4[%add3A, %dma_wait3A_81, %dma_wait3A_82] : memref<32x80x128xi32, #tpu.memory_space<hbm>> -> memref<1x40x128xi32, #tpu.memory_space<hbm>>
      %dma_wait3A_84 = tpu.memref_squeeze %dma_wait3A_83 : memref<1x40x128xi32, #tpu.memory_space<hbm>> -> memref<40x128xi32, #tpu.memory_space<hbm>>
      %dma_wait3A_85 = arith.constant 0 : i32
      %dma_wait3A_86 = arith.constant 0 : i32
      %dma_wait3A_87 = tpu.memref_slice %arg4[%add3A, %dma_wait3A_85, %dma_wait3A_86] : memref<32x80x128xi32, #tpu.memory_space<hbm>> -> memref<1x40x128xi32, #tpu.memory_space<hbm>>
      %dma_wait3A_88 = tpu.memref_squeeze %dma_wait3A_87 : memref<1x40x128xi32, #tpu.memory_space<hbm>> -> memref<40x128xi32, #tpu.memory_space<hbm>>
      tpu.wait_dma2 semaphore(%run_scoped3A : memref<!tpu.dma_semaphore, #tpu.memory_space<semaphore_mem>>) src(%dma_wait3A_88 : memref<40x128xi32, #tpu.memory_space<hbm>>) dst(%arg8 : memref<40x128xi32, #tpu.memory_space<vmem>>)
      tpu.yield
    }) : () -> ()
    %dma_start3A = arith.constant 0 : i32
    %dma_start3A_3 = arith.constant 0 : i32
    %dma_start3A_4 = tpu.memref_slice %arg7[%dma_start3A, %dma_start3A_3] : memref<40x128xi32, #tpu.memory_space<vmem>> -> memref<1x128xi32, #tpu.memory_space<vmem>>
    %dma_start3A_5 = tpu.memref_squeeze %dma_start3A_4 : memref<1x128xi32, #tpu.memory_space<vmem>> -> memref<128xi32, #tpu.memory_space<vmem>>
    %dma_start3A_6 = arith.constant 0 : i32
    %dma_start3A_7 = arith.constant 0 : i32
    %dma_start3A_8 = tpu.memref_slice %arg2[%dma_start3A_6, %dma_start3A_7] : memref<10000x128xf32, #tpu.memory_space<hbm>> -> memref<10000x128xf32, #tpu.memory_space<hbm>>
    tpu.enqueue_indirect_dma source(%dma_start3A_8 : memref<10000x128xf32, #tpu.memory_space<hbm>>) target(%arg10 : memref<128x128xf32, #tpu.memory_space<vmem>>) offsets(%dma_start3A_5 : memref<128xi32, #tpu.memory_space<vmem>>) semaphore(%arg12 : memref<!tpu.dma_semaphore, #tpu.memory_space<semaphore_mem>>)
    %dma_start3A_9 = arith.constant 1 : i32
    %dma_start3A_10 = arith.constant 0 : i32
    %dma_start3A_11 = tpu.memref_slice %arg7[%dma_start3A_9, %dma_start3A_10] : memref<40x128xi32, #tpu.memory_space<vmem>> -> memref<1x128xi32, #tpu.memory_space<vmem>>
    %dma_start3A_12 = tpu.memref_squeeze %dma_start3A_11 : memref<1x128xi32, #tpu.memory_space<vmem>> -> memref<128xi32, #tpu.memory_space<vmem>>
    %dma_start3A_13 = arith.constant 0 : i32
    %dma_start3A_14 = arith.constant 0 : i32
    %dma_start3A_15 = tpu.memref_slice %arg2[%dma_start3A_13, %dma_start3A_14] : memref<10000x128xf32, #tpu.memory_space<hbm>> -> memref<10000x128xf32, #tpu.memory_space<hbm>>
    tpu.enqueue_indirect_dma source(%dma_start3A_15 : memref<10000x128xf32, #tpu.memory_space<hbm>>) target(%arg11 : memref<128x128xf32, #tpu.memory_space<vmem>>) offsets(%dma_start3A_12 : memref<128xi32, #tpu.memory_space<vmem>>) semaphore(%arg13 : memref<!tpu.dma_semaphore, #tpu.memory_space<semaphore_mem>>)
    %scan3A = arith.constant 0 : i32
    %scan3A_16 = arith.constant 0 : i32
    %scan3A_17 = arith.constant 20 : i32
    %scan3A_18 = arith.addi %scan3A_16, %scan3A_17 : i32
    %scan3A_19 = arith.constant 1 : i32
    scf.for %scan3A_73 = %scan3A_16 to %scan3A_18 step %scan3A_19  : i32 {
      %mul3A_74 = arith.constant 2 : i32
      %mul3A_75 = arith.muli %scan3A_73, %mul3A_74 : i32
      %add3A_76 = arith.constant 0 : i32
      %add3A_77 = arith.addi %mul3A_75, %add3A_76 : i32
      %dma_wait3A_78 = arith.constant 0 : i32
      %dma_wait3A_79 = tpu.memref_slice %arg7[%add3A_77, %dma_wait3A_78] : memref<40x128xi32, #tpu.memory_space<vmem>> -> memref<1x128xi32, #tpu.memory_space<vmem>>
      %dma_wait3A_80 = tpu.memref_squeeze %dma_wait3A_79 : memref<1x128xi32, #tpu.memory_space<vmem>> -> memref<128xi32, #tpu.memory_space<vmem>>
      %dma_wait3A_81 = arith.constant 0 : i32
      %dma_wait3A_82 = arith.constant 0 : i32
      %dma_wait3A_83 = tpu.memref_slice %arg2[%dma_wait3A_81, %dma_wait3A_82] : memref<10000x128xf32, #tpu.memory_space<hbm>> -> memref<10000x128xf32, #tpu.memory_space<hbm>>
      tpu.wait_indirect_dma semaphore(%arg12 : memref<!tpu.dma_semaphore, #tpu.memory_space<semaphore_mem>>) src(%dma_wait3A_83 : memref<10000x128xf32, #tpu.memory_space<hbm>>) dst(%arg10 : memref<128x128xf32, #tpu.memory_space<vmem>>)
      %dma_start3A_84 = arith.constant 0 : i32
      %dma_start3A_85 = tpu.memref_slice %arg8[%add3A_77, %dma_start3A_84] : memref<40x128xi32, #tpu.memory_space<vmem>> -> memref<1x128xi32, #tpu.memory_space<vmem>>
      %dma_start3A_86 = tpu.memref_squeeze %dma_start3A_85 : memref<1x128xi32, #tpu.memory_space<vmem>> -> memref<128xi32, #tpu.memory_space<vmem>>
      %dma_start3A_87 = arith.constant 0 : i32
      %dma_start3A_88 = arith.constant 0 : i32
      %dma_start3A_89 = tpu.memref_slice %arg9[%dma_start3A_87, %dma_start3A_88] : memref<10112x128xf32, #tpu.memory_space<vmem_shared>> -> memref<10112x128xf32, #tpu.memory_space<vmem_shared>>
      tpu.enqueue_indirect_dma source(%arg10 : memref<128x128xf32, #tpu.memory_space<vmem>>) target(%dma_start3A_89 : memref<10112x128xf32, #tpu.memory_space<vmem_shared>>) offsets(%dma_start3A_86 : memref<128xi32, #tpu.memory_space<vmem>>) semaphore(%arg14 : memref<!tpu.dma_semaphore, #tpu.memory_space<semaphore_mem>>) {add = true}
      %add3A_90 = arith.constant 2 : i32
      %add3A_91 = arith.addi %add3A_77, %add3A_90 : i32
      %lt3A = arith.constant 40 : i32
      %lt3A_92 = arith.cmpi slt, %add3A_91, %lt3A : i32
      %convert_element_type3A = arith.extui %lt3A_92 : i1 to i32
      %cond3A = arith.constant 0 : i32
      %cond3A_93 = arith.cmpi ne, %convert_element_type3A, %cond3A : i32
      scf.if %cond3A_93 {
        %dma_wait3A_117 = arith.constant 0 : i32
        %dma_wait3A_118 = tpu.memref_slice %arg8[%add3A_77, %dma_wait3A_117] : memref<40x128xi32, #tpu.memory_space<vmem>> -> memref<1x128xi32, #tpu.memory_space<vmem>>
        %dma_wait3A_119 = tpu.memref_squeeze %dma_wait3A_118 : memref<1x128xi32, #tpu.memory_space<vmem>> -> memref<128xi32, #tpu.memory_space<vmem>>
        %dma_wait3A_120 = arith.constant 0 : i32
        %dma_wait3A_121 = arith.constant 0 : i32
        %dma_wait3A_122 = tpu.memref_slice %arg9[%dma_wait3A_120, %dma_wait3A_121] : memref<10112x128xf32, #tpu.memory_space<vmem_shared>> -> memref<10112x128xf32, #tpu.memory_space<vmem_shared>>
        tpu.wait_indirect_dma semaphore(%arg14 : memref<!tpu.dma_semaphore, #tpu.memory_space<semaphore_mem>>) src(%arg10 : memref<128x128xf32, #tpu.memory_space<vmem>>) dst(%dma_wait3A_122 : memref<10112x128xf32, #tpu.memory_space<vmem_shared>>)
        %dma_start3A_123 = arith.constant 0 : i32
        %dma_start3A_124 = tpu.memref_slice %arg7[%add3A_91, %dma_start3A_123] : memref<40x128xi32, #tpu.memory_space<vmem>> -> memref<1x128xi32, #tpu.memory_space<vmem>>
        %dma_start3A_125 = tpu.memref_squeeze %dma_start3A_124 : memref<1x128xi32, #tpu.memory_space<vmem>> -> memref<128xi32, #tpu.memory_space<vmem>>
        %dma_start3A_126 = arith.constant 0 : i32
        %dma_start3A_127 = arith.constant 0 : i32
        %dma_start3A_128 = tpu.memref_slice %arg2[%dma_start3A_126, %dma_start3A_127] : memref<10000x128xf32, #tpu.memory_space<hbm>> -> memref<10000x128xf32, #tpu.memory_space<hbm>>
        tpu.enqueue_indirect_dma source(%dma_start3A_128 : memref<10000x128xf32, #tpu.memory_space<hbm>>) target(%arg10 : memref<128x128xf32, #tpu.memory_space<vmem>>) offsets(%dma_start3A_125 : memref<128xi32, #tpu.memory_space<vmem>>) semaphore(%arg12 : memref<!tpu.dma_semaphore, #tpu.memory_space<semaphore_mem>>)
      } else {
      }
      %mul3A_94 = arith.constant 2 : i32
      %mul3A_95 = arith.muli %scan3A_73, %mul3A_94 : i32
      %add3A_96 = arith.constant 1 : i32
      %add3A_97 = arith.addi %mul3A_95, %add3A_96 : i32
      %dma_wait3A_98 = arith.constant 0 : i32
      %dma_wait3A_99 = tpu.memref_slice %arg7[%add3A_97, %dma_wait3A_98] : memref<40x128xi32, #tpu.memory_space<vmem>> -> memref<1x128xi32, #tpu.memory_space<vmem>>
      %dma_wait3A_100 = tpu.memref_squeeze %dma_wait3A_99 : memref<1x128xi32, #tpu.memory_space<vmem>> -> memref<128xi32, #tpu.memory_space<vmem>>
      %dma_wait3A_101 = arith.constant 0 : i32
      %dma_wait3A_102 = arith.constant 0 : i32
      %dma_wait3A_103 = tpu.memref_slice %arg2[%dma_wait3A_101, %dma_wait3A_102] : memref<10000x128xf32, #tpu.memory_space<hbm>> -> memref<10000x128xf32, #tpu.memory_space<hbm>>
      tpu.wait_indirect_dma semaphore(%arg13 : memref<!tpu.dma_semaphore, #tpu.memory_space<semaphore_mem>>) src(%dma_wait3A_103 : memref<10000x128xf32, #tpu.memory_space<hbm>>) dst(%arg11 : memref<128x128xf32, #tpu.memory_space<vmem>>)
      %dma_start3A_104 = arith.constant 0 : i32
      %dma_start3A_105 = tpu.memref_slice %arg8[%add3A_97, %dma_start3A_104] : memref<40x128xi32, #tpu.memory_space<vmem>> -> memref<1x128xi32, #tpu.memory_space<vmem>>
      %dma_start3A_106 = tpu.memref_squeeze %dma_start3A_105 : memref<1x128xi32, #tpu.memory_space<vmem>> -> memref<128xi32, #tpu.memory_space<vmem>>
      %dma_start3A_107 = arith.constant 0 : i32
      %dma_start3A_108 = arith.constant 0 : i32
      %dma_start3A_109 = tpu.memref_slice %arg9[%dma_start3A_107, %dma_start3A_108] : memref<10112x128xf32, #tpu.memory_space<vmem_shared>> -> memref<10112x128xf32, #tpu.memory_space<vmem_shared>>
      tpu.enqueue_indirect_dma source(%arg11 : memref<128x128xf32, #tpu.memory_space<vmem>>) target(%dma_start3A_109 : memref<10112x128xf32, #tpu.memory_space<vmem_shared>>) offsets(%dma_start3A_106 : memref<128xi32, #tpu.memory_space<vmem>>) semaphore(%arg15 : memref<!tpu.dma_semaphore, #tpu.memory_space<semaphore_mem>>) {add = true}
      %add3A_110 = arith.constant 2 : i32
      %add3A_111 = arith.addi %add3A_97, %add3A_110 : i32
      %lt3A_112 = arith.constant 40 : i32
      %lt3A_113 = arith.cmpi slt, %add3A_111, %lt3A_112 : i32
      %convert_element_type3A_114 = arith.extui %lt3A_113 : i1 to i32
      %cond3A_115 = arith.constant 0 : i32
      %cond3A_116 = arith.cmpi ne, %convert_element_type3A_114, %cond3A_115 : i32
      scf.if %cond3A_116 {
        %dma_wait3A_117 = arith.constant 0 : i32
        %dma_wait3A_118 = tpu.memref_slice %arg8[%add3A_97, %dma_wait3A_117] : memref<40x128xi32, #tpu.memory_space<vmem>> -> memref<1x128xi32, #tpu.memory_space<vmem>>
        %dma_wait3A_119 = tpu.memref_squeeze %dma_wait3A_118 : memref<1x128xi32, #tpu.memory_space<vmem>> -> memref<128xi32, #tpu.memory_space<vmem>>
        %dma_wait3A_120 = arith.constant 0 : i32
        %dma_wait3A_121 = arith.constant 0 : i32
        %dma_wait3A_122 = tpu.memref_slice %arg9[%dma_wait3A_120, %dma_wait3A_121] : memref<10112x128xf32, #tpu.memory_space<vmem_shared>> -> memref<10112x128xf32, #tpu.memory_space<vmem_shared>>
        tpu.wait_indirect_dma semaphore(%arg15 : memref<!tpu.dma_semaphore, #tpu.memory_space<semaphore_mem>>) src(%arg11 : memref<128x128xf32, #tpu.memory_space<vmem>>) dst(%dma_wait3A_122 : memref<10112x128xf32, #tpu.memory_space<vmem_shared>>)
        %dma_start3A_123 = arith.constant 0 : i32
        %dma_start3A_124 = tpu.memref_slice %arg7[%add3A_111, %dma_start3A_123] : memref<40x128xi32, #tpu.memory_space<vmem>> -> memref<1x128xi32, #tpu.memory_space<vmem>>
        %dma_start3A_125 = tpu.memref_squeeze %dma_start3A_124 : memref<1x128xi32, #tpu.memory_space<vmem>> -> memref<128xi32, #tpu.memory_space<vmem>>
        %dma_start3A_126 = arith.constant 0 : i32
        %dma_start3A_127 = arith.constant 0 : i32
        %dma_start3A_128 = tpu.memref_slice %arg2[%dma_start3A_126, %dma_start3A_127] : memref<10000x128xf32, #tpu.memory_space<hbm>> -> memref<10000x128xf32, #tpu.memory_space<hbm>>
        tpu.enqueue_indirect_dma source(%dma_start3A_128 : memref<10000x128xf32, #tpu.memory_space<hbm>>) target(%arg11 : memref<128x128xf32, #tpu.memory_space<vmem>>) offsets(%dma_start3A_125 : memref<128xi32, #tpu.memory_space<vmem>>) semaphore(%arg13 : memref<!tpu.dma_semaphore, #tpu.memory_space<semaphore_mem>>)
      } else {
      }
    }
    %scan3A_20 = arith.constant 20 : i32
    %dma_wait3A = arith.constant 38 : i32
    %dma_wait3A_21 = arith.constant 0 : i32
    %dma_wait3A_22 = tpu.memref_slice %arg8[%dma_wait3A, %dma_wait3A_21] : memref<40x128xi32, #tpu.memory_space<vmem>> -> memref<1x128xi32, #tpu.memory_space<vmem>>
    %dma_wait3A_23 = tpu.memref_squeeze %dma_wait3A_22 : memref<1x128xi32, #tpu.memory_space<vmem>> -> memref<128xi32, #tpu.memory_space<vmem>>
    %dma_wait3A_24 = arith.constant 0 : i32
    %dma_wait3A_25 = arith.constant 0 : i32
    %dma_wait3A_26 = tpu.memref_slice %arg9[%dma_wait3A_24, %dma_wait3A_25] : memref<10112x128xf32, #tpu.memory_space<vmem_shared>> -> memref<10112x128xf32, #tpu.memory_space<vmem_shared>>
    tpu.wait_indirect_dma semaphore(%arg14 : memref<!tpu.dma_semaphore, #tpu.memory_space<semaphore_mem>>) src(%arg10 : memref<128x128xf32, #tpu.memory_space<vmem>>) dst(%dma_wait3A_26 : memref<10112x128xf32, #tpu.memory_space<vmem_shared>>)
    %dma_wait3A_27 = arith.constant 39 : i32
    %dma_wait3A_28 = arith.constant 0 : i32
    %dma_wait3A_29 = tpu.memref_slice %arg8[%dma_wait3A_27, %dma_wait3A_28] : memref<40x128xi32, #tpu.memory_space<vmem>> -> memref<1x128xi32, #tpu.memory_space<vmem>>
    %dma_wait3A_30 = tpu.memref_squeeze %dma_wait3A_29 : memref<1x128xi32, #tpu.memory_space<vmem>> -> memref<128xi32, #tpu.memory_space<vmem>>
    %dma_wait3A_31 = arith.constant 0 : i32
    %dma_wait3A_32 = arith.constant 0 : i32
    %dma_wait3A_33 = tpu.memref_slice %arg9[%dma_wait3A_31, %dma_wait3A_32] : memref<10112x128xf32, #tpu.memory_space<vmem_shared>> -> memref<10112x128xf32, #tpu.memory_space<vmem_shared>>
    tpu.wait_indirect_dma semaphore(%arg15 : memref<!tpu.dma_semaphore, #tpu.memory_space<semaphore_mem>>) src(%arg11 : memref<128x128xf32, #tpu.memory_space<vmem>>) dst(%dma_wait3A_33 : memref<10112x128xf32, #tpu.memory_space<vmem_shared>>)
    "tpu.region"() ({
      %run_scoped3A = tpu.sem_alloc : memref<!tpu.dma_semaphore, #tpu.memory_space<semaphore_mem>>
      %dma_start3A_73 = arith.constant 40 : i32
      %dma_start3A_74 = arith.constant 0 : i32
      %dma_start3A_75 = tpu.memref_slice %arg3[%add3A, %dma_start3A_73, %dma_start3A_74] : memref<32x80x128xi32, #tpu.memory_space<hbm>> -> memref<1x40x128xi32, #tpu.memory_space<hbm>>
      %dma_start3A_76 = tpu.memref_squeeze %dma_start3A_75 : memref<1x40x128xi32, #tpu.memory_space<hbm>> -> memref<40x128xi32, #tpu.memory_space<hbm>>
      %dma_start3A_77 = arith.constant 40 : i32
      %dma_start3A_78 = arith.constant 0 : i32
      %dma_start3A_79 = tpu.memref_slice %arg3[%add3A, %dma_start3A_77, %dma_start3A_78] : memref<32x80x128xi32, #tpu.memory_space<hbm>> -> memref<1x40x128xi32, #tpu.memory_space<hbm>>
      %dma_start3A_80 = tpu.memref_squeeze %dma_start3A_79 : memref<1x40x128xi32, #tpu.memory_space<hbm>> -> memref<40x128xi32, #tpu.memory_space<hbm>>
      tpu.enqueue_dma source(%dma_start3A_80 : memref<40x128xi32, #tpu.memory_space<hbm>>) target(%arg7 : memref<40x128xi32, #tpu.memory_space<vmem>>) target_semaphore(%run_scoped3A : memref<!tpu.dma_semaphore, #tpu.memory_space<semaphore_mem>>)
      %dma_wait3A_81 = arith.constant 40 : i32
      %dma_wait3A_82 = arith.constant 0 : i32
      %dma_wait3A_83 = tpu.memref_slice %arg3[%add3A, %dma_wait3A_81, %dma_wait3A_82] : memref<32x80x128xi32, #tpu.memory_space<hbm>> -> memref<1x40x128xi32, #tpu.memory_space<hbm>>
      %dma_wait3A_84 = tpu.memref_squeeze %dma_wait3A_83 : memref<1x40x128xi32, #tpu.memory_space<hbm>> -> memref<40x128xi32, #tpu.memory_space<hbm>>
      %dma_wait3A_85 = arith.constant 40 : i32
      %dma_wait3A_86 = arith.constant 0 : i32
      %dma_wait3A_87 = tpu.memref_slice %arg3[%add3A, %dma_wait3A_85, %dma_wait3A_86] : memref<32x80x128xi32, #tpu.memory_space<hbm>> -> memref<1x40x128xi32, #tpu.memory_space<hbm>>
      %dma_wait3A_88 = tpu.memref_squeeze %dma_wait3A_87 : memref<1x40x128xi32, #tpu.memory_space<hbm>> -> memref<40x128xi32, #tpu.memory_space<hbm>>
      tpu.wait_dma2 semaphore(%run_scoped3A : memref<!tpu.dma_semaphore, #tpu.memory_space<semaphore_mem>>) src(%dma_wait3A_88 : memref<40x128xi32, #tpu.memory_space<hbm>>) dst(%arg7 : memref<40x128xi32, #tpu.memory_space<vmem>>)
      tpu.yield
    }) : () -> ()
    "tpu.region"() ({
      %run_scoped3A = tpu.sem_alloc : memref<!tpu.dma_semaphore, #tpu.memory_space<semaphore_mem>>
      %dma_start3A_73 = arith.constant 40 : i32
      %dma_start3A_74 = arith.constant 0 : i32
      %dma_start3A_75 = tpu.memref_slice %arg4[%add3A, %dma_start3A_73, %dma_start3A_74] : memref<32x80x128xi32, #tpu.memory_space<hbm>> -> memref<1x40x128xi32, #tpu.memory_space<hbm>>
      %dma_start3A_76 = tpu.memref_squeeze %dma_start3A_75 : memref<1x40x128xi32, #tpu.memory_space<hbm>> -> memref<40x128xi32, #tpu.memory_space<hbm>>
      %dma_start3A_77 = arith.constant 40 : i32
      %dma_start3A_78 = arith.constant 0 : i32
      %dma_start3A_79 = tpu.memref_slice %arg4[%add3A, %dma_start3A_77, %dma_start3A_78] : memref<32x80x128xi32, #tpu.memory_space<hbm>> -> memref<1x40x128xi32, #tpu.memory_space<hbm>>
      %dma_start3A_80 = tpu.memref_squeeze %dma_start3A_79 : memref<1x40x128xi32, #tpu.memory_space<hbm>> -> memref<40x128xi32, #tpu.memory_space<hbm>>
      tpu.enqueue_dma source(%dma_start3A_80 : memref<40x128xi32, #tpu.memory_space<hbm>>) target(%arg8 : memref<40x128xi32, #tpu.memory_space<vmem>>) target_semaphore(%run_scoped3A : memref<!tpu.dma_semaphore, #tpu.memory_space<semaphore_mem>>)
      %dma_wait3A_81 = arith.constant 40 : i32
      %dma_wait3A_82 = arith.constant 0 : i32
      %dma_wait3A_83 = tpu.memref_slice %arg4[%add3A, %dma_wait3A_81, %dma_wait3A_82] : memref<32x80x128xi32, #tpu.memory_space<hbm>> -> memref<1x40x128xi32, #tpu.memory_space<hbm>>
      %dma_wait3A_84 = tpu.memref_squeeze %dma_wait3A_83 : memref<1x40x128xi32, #tpu.memory_space<hbm>> -> memref<40x128xi32, #tpu.memory_space<hbm>>
      %dma_wait3A_85 = arith.constant 40 : i32
      %dma_wait3A_86 = arith.constant 0 : i32
      %dma_wait3A_87 = tpu.memref_slice %arg4[%add3A, %dma_wait3A_85, %dma_wait3A_86] : memref<32x80x128xi32, #tpu.memory_space<hbm>> -> memref<1x40x128xi32, #tpu.memory_space<hbm>>
      %dma_wait3A_88 = tpu.memref_squeeze %dma_wait3A_87 : memref<1x40x128xi32, #tpu.memory_space<hbm>> -> memref<40x128xi32, #tpu.memory_space<hbm>>
      tpu.wait_dma2 semaphore(%run_scoped3A : memref<!tpu.dma_semaphore, #tpu.memory_space<semaphore_mem>>) src(%dma_wait3A_88 : memref<40x128xi32, #tpu.memory_space<hbm>>) dst(%arg8 : memref<40x128xi32, #tpu.memory_space<vmem>>)
      tpu.yield
    }) : () -> ()
    %dma_start3A_34 = arith.constant 0 : i32
    %dma_start3A_35 = arith.constant 0 : i32
    %dma_start3A_36 = tpu.memref_slice %arg7[%dma_start3A_34, %dma_start3A_35] : memref<40x128xi32, #tpu.memory_space<vmem>> -> memref<1x128xi32, #tpu.memory_space<vmem>>
    %dma_start3A_37 = tpu.memref_squeeze %dma_start3A_36 : memref<1x128xi32, #tpu.memory_space<vmem>> -> memref<128xi32, #tpu.memory_space<vmem>>
    %dma_start3A_38 = arith.constant 0 : i32
    %dma_start3A_39 = arith.constant 0 : i32
    %dma_start3A_40 = tpu.memref_slice %arg2[%dma_start3A_38, %dma_start3A_39] : memref<10000x128xf32, #tpu.memory_space<hbm>> -> memref<10000x128xf32, #tpu.memory_space<hbm>>
    tpu.enqueue_indirect_dma source(%dma_start3A_40 : memref<10000x128xf32, #tpu.memory_space<hbm>>) target(%arg10 : memref<128x128xf32, #tpu.memory_space<vmem>>) offsets(%dma_start3A_37 : memref<128xi32, #tpu.memory_space<vmem>>) semaphore(%arg12 : memref<!tpu.dma_semaphore, #tpu.memory_space<semaphore_mem>>)
    %dma_start3A_41 = arith.constant 1 : i32
    %dma_start3A_42 = arith.constant 0 : i32
    %dma_start3A_43 = tpu.memref_slice %arg7[%dma_start3A_41, %dma_start3A_42] : memref<40x128xi32, #tpu.memory_space<vmem>> -> memref<1x128xi32, #tpu.memory_space<vmem>>
    %dma_start3A_44 = tpu.memref_squeeze %dma_start3A_43 : memref<1x128xi32, #tpu.memory_space<vmem>> -> memref<128xi32, #tpu.memory_space<vmem>>
    %dma_start3A_45 = arith.constant 0 : i32
    %dma_start3A_46 = arith.constant 0 : i32
    %dma_start3A_47 = tpu.memref_slice %arg2[%dma_start3A_45, %dma_start3A_46] : memref<10000x128xf32, #tpu.memory_space<hbm>> -> memref<10000x128xf32, #tpu.memory_space<hbm>>
    tpu.enqueue_indirect_dma source(%dma_start3A_47 : memref<10000x128xf32, #tpu.memory_space<hbm>>) target(%arg11 : memref<128x128xf32, #tpu.memory_space<vmem>>) offsets(%dma_start3A_44 : memref<128xi32, #tpu.memory_space<vmem>>) semaphore(%arg13 : memref<!tpu.dma_semaphore, #tpu.memory_space<semaphore_mem>>)
    %scan3A_48 = arith.constant 0 : i32
    %scan3A_49 = arith.constant 0 : i32
    %scan3A_50 = arith.constant 20 : i32
    %scan3A_51 = arith.addi %scan3A_49, %scan3A_50 : i32
    %scan3A_52 = arith.constant 1 : i32
    scf.for %scan3A_73 = %scan3A_49 to %scan3A_51 step %scan3A_52  : i32 {
      %mul3A_74 = arith.constant 2 : i32
      %mul3A_75 = arith.muli %scan3A_73, %mul3A_74 : i32
      %add3A_76 = arith.constant 0 : i32
      %add3A_77 = arith.addi %mul3A_75, %add3A_76 : i32
      %dma_wait3A_78 = arith.constant 0 : i32
      %dma_wait3A_79 = tpu.memref_slice %arg7[%add3A_77, %dma_wait3A_78] : memref<40x128xi32, #tpu.memory_space<vmem>> -> memref<1x128xi32, #tpu.memory_space<vmem>>
      %dma_wait3A_80 = tpu.memref_squeeze %dma_wait3A_79 : memref<1x128xi32, #tpu.memory_space<vmem>> -> memref<128xi32, #tpu.memory_space<vmem>>
      %dma_wait3A_81 = arith.constant 0 : i32
      %dma_wait3A_82 = arith.constant 0 : i32
      %dma_wait3A_83 = tpu.memref_slice %arg2[%dma_wait3A_81, %dma_wait3A_82] : memref<10000x128xf32, #tpu.memory_space<hbm>> -> memref<10000x128xf32, #tpu.memory_space<hbm>>
      tpu.wait_indirect_dma semaphore(%arg12 : memref<!tpu.dma_semaphore, #tpu.memory_space<semaphore_mem>>) src(%dma_wait3A_83 : memref<10000x128xf32, #tpu.memory_space<hbm>>) dst(%arg10 : memref<128x128xf32, #tpu.memory_space<vmem>>)
      %dma_start3A_84 = arith.constant 0 : i32
      %dma_start3A_85 = tpu.memref_slice %arg8[%add3A_77, %dma_start3A_84] : memref<40x128xi32, #tpu.memory_space<vmem>> -> memref<1x128xi32, #tpu.memory_space<vmem>>
      %dma_start3A_86 = tpu.memref_squeeze %dma_start3A_85 : memref<1x128xi32, #tpu.memory_space<vmem>> -> memref<128xi32, #tpu.memory_space<vmem>>
      %dma_start3A_87 = arith.constant 0 : i32
      %dma_start3A_88 = arith.constant 0 : i32
      %dma_start3A_89 = tpu.memref_slice %arg9[%dma_start3A_87, %dma_start3A_88] : memref<10112x128xf32, #tpu.memory_space<vmem_shared>> -> memref<10112x128xf32, #tpu.memory_space<vmem_shared>>
      tpu.enqueue_indirect_dma source(%arg10 : memref<128x128xf32, #tpu.memory_space<vmem>>) target(%dma_start3A_89 : memref<10112x128xf32, #tpu.memory_space<vmem_shared>>) offsets(%dma_start3A_86 : memref<128xi32, #tpu.memory_space<vmem>>) semaphore(%arg14 : memref<!tpu.dma_semaphore, #tpu.memory_space<semaphore_mem>>) {add = true}
      %add3A_90 = arith.constant 2 : i32
      %add3A_91 = arith.addi %add3A_77, %add3A_90 : i32
      %lt3A = arith.constant 40 : i32
      %lt3A_92 = arith.cmpi slt, %add3A_91, %lt3A : i32
      %convert_element_type3A = arith.extui %lt3A_92 : i1 to i32
      %cond3A = arith.constant 0 : i32
      %cond3A_93 = arith.cmpi ne, %convert_element_type3A, %cond3A : i32
      scf.if %cond3A_93 {
        %dma_wait3A_117 = arith.constant 0 : i32
        %dma_wait3A_118 = tpu.memref_slice %arg8[%add3A_77, %dma_wait3A_117] : memref<40x128xi32, #tpu.memory_space<vmem>> -> memref<1x128xi32, #tpu.memory_space<vmem>>
        %dma_wait3A_119 = tpu.memref_squeeze %dma_wait3A_118 : memref<1x128xi32, #tpu.memory_space<vmem>> -> memref<128xi32, #tpu.memory_space<vmem>>
        %dma_wait3A_120 = arith.constant 0 : i32
        %dma_wait3A_121 = arith.constant 0 : i32
        %dma_wait3A_122 = tpu.memref_slice %arg9[%dma_wait3A_120, %dma_wait3A_121] : memref<10112x128xf32, #tpu.memory_space<vmem_shared>> -> memref<10112x128xf32, #tpu.memory_space<vmem_shared>>
        tpu.wait_indirect_dma semaphore(%arg14 : memref<!tpu.dma_semaphore, #tpu.memory_space<semaphore_mem>>) src(%arg10 : memref<128x128xf32, #tpu.memory_space<vmem>>) dst(%dma_wait3A_122 : memref<10112x128xf32, #tpu.memory_space<vmem_shared>>)
        %dma_start3A_123 = arith.constant 0 : i32
        %dma_start3A_124 = tpu.memref_slice %arg7[%add3A_91, %dma_start3A_123] : memref<40x128xi32, #tpu.memory_space<vmem>> -> memref<1x128xi32, #tpu.memory_space<vmem>>
        %dma_start3A_125 = tpu.memref_squeeze %dma_start3A_124 : memref<1x128xi32, #tpu.memory_space<vmem>> -> memref<128xi32, #tpu.memory_space<vmem>>
        %dma_start3A_126 = arith.constant 0 : i32
        %dma_start3A_127 = arith.constant 0 : i32
        %dma_start3A_128 = tpu.memref_slice %arg2[%dma_start3A_126, %dma_start3A_127] : memref<10000x128xf32, #tpu.memory_space<hbm>> -> memref<10000x128xf32, #tpu.memory_space<hbm>>
        tpu.enqueue_indirect_dma source(%dma_start3A_128 : memref<10000x128xf32, #tpu.memory_space<hbm>>) target(%arg10 : memref<128x128xf32, #tpu.memory_space<vmem>>) offsets(%dma_start3A_125 : memref<128xi32, #tpu.memory_space<vmem>>) semaphore(%arg12 : memref<!tpu.dma_semaphore, #tpu.memory_space<semaphore_mem>>)
      } else {
      }
      %mul3A_94 = arith.constant 2 : i32
      %mul3A_95 = arith.muli %scan3A_73, %mul3A_94 : i32
      %add3A_96 = arith.constant 1 : i32
      %add3A_97 = arith.addi %mul3A_95, %add3A_96 : i32
      %dma_wait3A_98 = arith.constant 0 : i32
      %dma_wait3A_99 = tpu.memref_slice %arg7[%add3A_97, %dma_wait3A_98] : memref<40x128xi32, #tpu.memory_space<vmem>> -> memref<1x128xi32, #tpu.memory_space<vmem>>
      %dma_wait3A_100 = tpu.memref_squeeze %dma_wait3A_99 : memref<1x128xi32, #tpu.memory_space<vmem>> -> memref<128xi32, #tpu.memory_space<vmem>>
      %dma_wait3A_101 = arith.constant 0 : i32
      %dma_wait3A_102 = arith.constant 0 : i32
      %dma_wait3A_103 = tpu.memref_slice %arg2[%dma_wait3A_101, %dma_wait3A_102] : memref<10000x128xf32, #tpu.memory_space<hbm>> -> memref<10000x128xf32, #tpu.memory_space<hbm>>
      tpu.wait_indirect_dma semaphore(%arg13 : memref<!tpu.dma_semaphore, #tpu.memory_space<semaphore_mem>>) src(%dma_wait3A_103 : memref<10000x128xf32, #tpu.memory_space<hbm>>) dst(%arg11 : memref<128x128xf32, #tpu.memory_space<vmem>>)
      %dma_start3A_104 = arith.constant 0 : i32
      %dma_start3A_105 = tpu.memref_slice %arg8[%add3A_97, %dma_start3A_104] : memref<40x128xi32, #tpu.memory_space<vmem>> -> memref<1x128xi32, #tpu.memory_space<vmem>>
      %dma_start3A_106 = tpu.memref_squeeze %dma_start3A_105 : memref<1x128xi32, #tpu.memory_space<vmem>> -> memref<128xi32, #tpu.memory_space<vmem>>
      %dma_start3A_107 = arith.constant 0 : i32
      %dma_start3A_108 = arith.constant 0 : i32
      %dma_start3A_109 = tpu.memref_slice %arg9[%dma_start3A_107, %dma_start3A_108] : memref<10112x128xf32, #tpu.memory_space<vmem_shared>> -> memref<10112x128xf32, #tpu.memory_space<vmem_shared>>
      tpu.enqueue_indirect_dma source(%arg11 : memref<128x128xf32, #tpu.memory_space<vmem>>) target(%dma_start3A_109 : memref<10112x128xf32, #tpu.memory_space<vmem_shared>>) offsets(%dma_start3A_106 : memref<128xi32, #tpu.memory_space<vmem>>) semaphore(%arg15 : memref<!tpu.dma_semaphore, #tpu.memory_space<semaphore_mem>>) {add = true}
      %add3A_110 = arith.constant 2 : i32
      %add3A_111 = arith.addi %add3A_97, %add3A_110 : i32
      %lt3A_112 = arith.constant 40 : i32
      %lt3A_113 = arith.cmpi slt, %add3A_111, %lt3A_112 : i32
      %convert_element_type3A_114 = arith.extui %lt3A_113 : i1 to i32
      %cond3A_115 = arith.constant 0 : i32
      %cond3A_116 = arith.cmpi ne, %convert_element_type3A_114, %cond3A_115 : i32
      scf.if %cond3A_116 {
        %dma_wait3A_117 = arith.constant 0 : i32
        %dma_wait3A_118 = tpu.memref_slice %arg8[%add3A_97, %dma_wait3A_117] : memref<40x128xi32, #tpu.memory_space<vmem>> -> memref<1x128xi32, #tpu.memory_space<vmem>>
        %dma_wait3A_119 = tpu.memref_squeeze %dma_wait3A_118 : memref<1x128xi32, #tpu.memory_space<vmem>> -> memref<128xi32, #tpu.memory_space<vmem>>
        %dma_wait3A_120 = arith.constant 0 : i32
        %dma_wait3A_121 = arith.constant 0 : i32
        %dma_wait3A_122 = tpu.memref_slice %arg9[%dma_wait3A_120, %dma_wait3A_121] : memref<10112x128xf32, #tpu.memory_space<vmem_shared>> -> memref<10112x128xf32, #tpu.memory_space<vmem_shared>>
        tpu.wait_indirect_dma semaphore(%arg15 : memref<!tpu.dma_semaphore, #tpu.memory_space<semaphore_mem>>) src(%arg11 : memref<128x128xf32, #tpu.memory_space<vmem>>) dst(%dma_wait3A_122 : memref<10112x128xf32, #tpu.memory_space<vmem_shared>>)
        %dma_start3A_123 = arith.constant 0 : i32
        %dma_start3A_124 = tpu.memref_slice %arg7[%add3A_111, %dma_start3A_123] : memref<40x128xi32, #tpu.memory_space<vmem>> -> memref<1x128xi32, #tpu.memory_space<vmem>>
        %dma_start3A_125 = tpu.memref_squeeze %dma_start3A_124 : memref<1x128xi32, #tpu.memory_space<vmem>> -> memref<128xi32, #tpu.memory_space<vmem>>
        %dma_start3A_126 = arith.constant 0 : i32
        %dma_start3A_127 = arith.constant 0 : i32
        %dma_start3A_128 = tpu.memref_slice %arg2[%dma_start3A_126, %dma_start3A_127] : memref<10000x128xf32, #tpu.memory_space<hbm>> -> memref<10000x128xf32, #tpu.memory_space<hbm>>
        tpu.enqueue_indirect_dma source(%dma_start3A_128 : memref<10000x128xf32, #tpu.memory_space<hbm>>) target(%arg11 : memref<128x128xf32, #tpu.memory_space<vmem>>) offsets(%dma_start3A_125 : memref<128xi32, #tpu.memory_space<vmem>>) semaphore(%arg13 : memref<!tpu.dma_semaphore, #tpu.memory_space<semaphore_mem>>)
      } else {
      }
    }
    %scan3A_53 = arith.constant 20 : i32
    %dma_wait3A_54 = arith.constant 38 : i32
    %dma_wait3A_55 = arith.constant 0 : i32
    %dma_wait3A_56 = tpu.memref_slice %arg8[%dma_wait3A_54, %dma_wait3A_55] : memref<40x128xi32, #tpu.memory_space<vmem>> -> memref<1x128xi32, #tpu.memory_space<vmem>>
    %dma_wait3A_57 = tpu.memref_squeeze %dma_wait3A_56 : memref<1x128xi32, #tpu.memory_space<vmem>> -> memref<128xi32, #tpu.memory_space<vmem>>
    %dma_wait3A_58 = arith.constant 0 : i32
    %dma_wait3A_59 = arith.constant 0 : i32
    %dma_wait3A_60 = tpu.memref_slice %arg9[%dma_wait3A_58, %dma_wait3A_59] : memref<10112x128xf32, #tpu.memory_space<vmem_shared>> -> memref<10112x128xf32, #tpu.memory_space<vmem_shared>>
    tpu.wait_indirect_dma semaphore(%arg14 : memref<!tpu.dma_semaphore, #tpu.memory_space<semaphore_mem>>) src(%arg10 : memref<128x128xf32, #tpu.memory_space<vmem>>) dst(%dma_wait3A_60 : memref<10112x128xf32, #tpu.memory_space<vmem_shared>>)
    %dma_wait3A_61 = arith.constant 39 : i32
    %dma_wait3A_62 = arith.constant 0 : i32
    %dma_wait3A_63 = tpu.memref_slice %arg8[%dma_wait3A_61, %dma_wait3A_62] : memref<40x128xi32, #tpu.memory_space<vmem>> -> memref<1x128xi32, #tpu.memory_space<vmem>>
    %dma_wait3A_64 = tpu.memref_squeeze %dma_wait3A_63 : memref<1x128xi32, #tpu.memory_space<vmem>> -> memref<128xi32, #tpu.memory_space<vmem>>
    %dma_wait3A_65 = arith.constant 0 : i32
    %dma_wait3A_66 = arith.constant 0 : i32
    %dma_wait3A_67 = tpu.memref_slice %arg9[%dma_wait3A_65, %dma_wait3A_66] : memref<10112x128xf32, #tpu.memory_space<vmem_shared>> -> memref<10112x128xf32, #tpu.memory_space<vmem_shared>>
    tpu.wait_indirect_dma semaphore(%arg15 : memref<!tpu.dma_semaphore, #tpu.memory_space<semaphore_mem>>) src(%arg11 : memref<128x128xf32, #tpu.memory_space<vmem>>) dst(%dma_wait3A_67 : memref<10112x128xf32, #tpu.memory_space<vmem_shared>>)
    %barrier3A_68 = arith.constant 0 : index
    tpu.barrier barrier_id(%barrier3A_68)
    %mul3A_69 = arith.constant 632 : i32
    %mul3A_70 = arith.muli %arg1, %mul3A_69 : i32
    %mul3A_71 = arith.constant 632 : i32
    %mul3A_72 = arith.muli %arg1, %mul3A_71 : i32
    "tpu.region"() ({
      %run_scoped3A = tpu.sem_alloc : memref<!tpu.dma_semaphore, #tpu.memory_space<semaphore_mem>>
      %dma_start3A_73 = arith.constant 0 : i32
      %dma_start3A_74 = tpu.memref_slice %arg6[%arg0, %mul3A_72, %dma_start3A_73] : memref<2x10112x128xf32, #tpu.memory_space<hbm>> -> memref<1x632x128xf32, #tpu.memory_space<hbm>>
      %dma_start3A_75 = tpu.memref_squeeze %dma_start3A_74 : memref<1x632x128xf32, #tpu.memory_space<hbm>> -> memref<632x128xf32, #tpu.memory_space<hbm>>
      %dma_start3A_76 = arith.constant 0 : i32
      %dma_start3A_77 = tpu.memref_slice %arg9[%mul3A_70, %dma_start3A_76] : memref<10112x128xf32, #tpu.memory_space<vmem_shared>> -> memref<632x128xf32, #tpu.memory_space<vmem_shared>>
      tpu.enqueue_dma source(%dma_start3A_77 : memref<632x128xf32, #tpu.memory_space<vmem_shared>>) target(%dma_start3A_75 : memref<632x128xf32, #tpu.memory_space<hbm>>) target_semaphore(%run_scoped3A : memref<!tpu.dma_semaphore, #tpu.memory_space<semaphore_mem>>)
      %dma_wait3A_78 = arith.constant 0 : i32
      %dma_wait3A_79 = tpu.memref_slice %arg6[%arg0, %mul3A_72, %dma_wait3A_78] : memref<2x10112x128xf32, #tpu.memory_space<hbm>> -> memref<1x632x128xf32, #tpu.memory_space<hbm>>
      %dma_wait3A_80 = tpu.memref_squeeze %dma_wait3A_79 : memref<1x632x128xf32, #tpu.memory_space<hbm>> -> memref<632x128xf32, #tpu.memory_space<hbm>>
      %dma_wait3A_81 = arith.constant 0 : i32
      %dma_wait3A_82 = tpu.memref_slice %arg9[%mul3A_70, %dma_wait3A_81] : memref<10112x128xf32, #tpu.memory_space<vmem_shared>> -> memref<632x128xf32, #tpu.memory_space<vmem_shared>>
      tpu.wait_dma2 semaphore(%run_scoped3A : memref<!tpu.dma_semaphore, #tpu.memory_space<semaphore_mem>>) src(%dma_wait3A_82 : memref<632x128xf32, #tpu.memory_space<vmem_shared>>) dst(%dma_wait3A_80 : memref<632x128xf32, #tpu.memory_space<hbm>>)
      tpu.yield
    }) : () -> ()
    return
  }
}

module attributes {stable_mosaic.version = 14 : i64} {
  func.func @_mlp_bn_body(%arg0: i32, %arg1: i32, %arg2: memref<400x128xf32, #tpu.memory_space<vmem>>, %arg3: memref<2x400x128xf32, #tpu.memory_space<vmem>>, %arg4: memref<128x128xf32, #tpu.memory_space<vmem>>, %arg5: memref<1x128xf32, #tpu.memory_space<vmem>>, %arg6: memref<128x128xf32, #tpu.memory_space<vmem>>, %arg7: memref<1x128xf32, #tpu.memory_space<vmem>>, %arg8: memref<1x128xf32, #tpu.memory_space<vmem>>, %arg9: memref<1x128xf32, #tpu.memory_space<vmem>>, %arg10: memref<400x128xf32, #tpu.memory_space<vmem>>, %arg11: memref<10000x128xf32, #tpu.memory_space<vmem>>, %arg12: memref<1x128xf32, #tpu.memory_space<vmem>>, %arg13: memref<1x128xf32, #tpu.memory_space<vmem>>) attributes {dimension_semantics = [#tpu.dimension_semantics<arbitrary>, #tpu.dimension_semantics<arbitrary>], iteration_bounds = array<i64: 2, 25>, scalar_prefetch = 0 : i64, scratch_operands = 3 : i64, tpu.core_type = #tpu.core_type<tc>, window_params = [{transform_indices = @transform_0, window_bounds = array<i64: 400, 128>}, {transform_indices = @transform_1, window_bounds = array<i64: 2, 400, 128>}, {pipeline_mode = #tpu.pipeline_mode<synchronous>, transform_indices = @transform_2, window_bounds = array<i64: 128, 128>}, {pipeline_mode = #tpu.pipeline_mode<synchronous>, transform_indices = @transform_3, window_bounds = array<i64: 1, 128>}, {pipeline_mode = #tpu.pipeline_mode<synchronous>, transform_indices = @transform_4, window_bounds = array<i64: 128, 128>}, {pipeline_mode = #tpu.pipeline_mode<synchronous>, transform_indices = @transform_5, window_bounds = array<i64: 1, 128>}, {pipeline_mode = #tpu.pipeline_mode<synchronous>, transform_indices = @transform_6, window_bounds = array<i64: 1, 128>}, {pipeline_mode = #tpu.pipeline_mode<synchronous>, transform_indices = @transform_7, window_bounds = array<i64: 1, 128>}, {transform_indices = @transform_8, window_bounds = array<i64: 400, 128>}]} {
    %eq3A = arith.constant 0 : i32
    %eq3A_0 = arith.cmpi eq, %arg0, %eq3A : i32
    %convert_element_type3A = arith.extui %eq3A_0 : i1 to i32
    %cond3A = arith.constant 0 : i32
    %cond3A_1 = arith.cmpi ne, %convert_element_type3A, %cond3A : i32
    scf.if %cond3A_1 {
      %get3A = arith.constant 0 : index
      %get3A_7 = arith.constant 0 : index
      %get3A_8 = vector.load %arg2[%get3A, %get3A_7] : memref<400x128xf32, #tpu.memory_space<vmem>>, vector<400x128xf32>
      %mul3A = arith.constant 1.000000e+00 : f32
      %mul3A_9 = vector.broadcast %mul3A : f32 to vector<400x128xf32>
      %mul3A_10 = arith.mulf %get3A_8, %mul3A_9 : vector<400x128xf32>
      %get3A_11 = arith.constant 0 : index
      %get3A_12 = arith.constant 0 : index
      %get3A_13 = arith.constant 0 : index
      %get3A_14 = vector.load %arg3[%get3A_11, %get3A_12, %get3A_13] : memref<2x400x128xf32, #tpu.memory_space<vmem>>, vector<1x400x128xf32>
      %get3A_15 = vector.shape_cast %get3A_14 : vector<1x400x128xf32> to vector<400x128xf32>
      %add3A = arith.addf %mul3A_10, %get3A_15 : vector<400x128xf32>
      %get3A_16 = arith.constant 1 : index
      %get3A_17 = arith.constant 0 : index
      %get3A_18 = arith.constant 0 : index
      %get3A_19 = vector.load %arg3[%get3A_16, %get3A_17, %get3A_18] : memref<2x400x128xf32, #tpu.memory_space<vmem>>, vector<1x400x128xf32>
      %get3A_20 = vector.shape_cast %get3A_19 : vector<1x400x128xf32> to vector<400x128xf32>
      %add3A_21 = arith.addf %add3A, %get3A_20 : vector<400x128xf32>
      %get3A_22 = arith.constant 0 : index
      %get3A_23 = arith.constant 0 : index
      %get3A_24 = vector.load %arg4[%get3A_22, %get3A_23] : memref<128x128xf32, #tpu.memory_space<vmem>>, vector<128x128xf32>
      %dot_general3A = arith.constant dense<0.000000e+00> : vector<400x128xf32>
      %dot_general3A_25 = tpu.matmul %add3A_21, %get3A_24, %dot_general3A {dimension_numbers = #tpu.dot_dimension_numbers<[1], [0], [0], [1], [0, 0, 1, 1], [], []>, transpose_lhs_hint = false} : vector<400x128xf32>, vector<128x128xf32>, vector<400x128xf32> -> vector<400x128xf32>
      %get3A_26 = arith.constant 0 : index
      %get3A_27 = arith.constant 0 : index
      %get3A_28 = vector.load %arg5[%get3A_26, %get3A_27] : memref<1x128xf32, #tpu.memory_space<vmem>>, vector<1x128xf32>
      %add3A_29 = vector.broadcast %get3A_28 : vector<1x128xf32> to vector<400x128xf32>
      %add3A_30 = arith.addf %dot_general3A_25, %add3A_29 : vector<400x128xf32>
      %max3A = arith.constant 0.000000e+00 : f32
      %max3A_31 = vector.broadcast %max3A : f32 to vector<400x128xf32>
      %max3A_32 = arith.maximumf %add3A_30, %max3A_31 : vector<400x128xf32>
      %get3A_33 = arith.constant 0 : index
      %get3A_34 = arith.constant 0 : index
      %get3A_35 = vector.load %arg6[%get3A_33, %get3A_34] : memref<128x128xf32, #tpu.memory_space<vmem>>, vector<128x128xf32>
      %dot_general3A_36 = arith.constant dense<0.000000e+00> : vector<400x128xf32>
      %dot_general3A_37 = tpu.matmul %max3A_32, %get3A_35, %dot_general3A_36 {dimension_numbers = #tpu.dot_dimension_numbers<[1], [0], [0], [1], [0, 0, 1, 1], [], []>, transpose_lhs_hint = false} : vector<400x128xf32>, vector<128x128xf32>, vector<400x128xf32> -> vector<400x128xf32>
      %get3A_38 = arith.constant 0 : index
      %get3A_39 = arith.constant 0 : index
      %get3A_40 = vector.load %arg7[%get3A_38, %get3A_39] : memref<1x128xf32, #tpu.memory_space<vmem>>, vector<1x128xf32>
      %add3A_41 = vector.broadcast %get3A_40 : vector<1x128xf32> to vector<400x128xf32>
      %add3A_42 = arith.addf %dot_general3A_37, %add3A_41 : vector<400x128xf32>
      %mul3A_43 = arith.constant 400 : i32
      %mul3A_44 = arith.muli %arg1, %mul3A_43 : i32
      %swap3A = arith.index_cast %mul3A_44 : i32 to index
      %swap3A_45 = arith.constant 0 : index
      %swap3A_46 = vector.load %arg11[%swap3A, %swap3A_45] : memref<10000x128xf32, #tpu.memory_space<vmem>>, vector<400x128xf32>
      tpu.vector_store %arg11[%swap3A, %swap3A_45], %add3A_42 {strides = array<i32>} : memref<10000x128xf32, #tpu.memory_space<vmem>>, vector<400x128xf32>,
      %eq3A_47 = arith.constant 0 : i32
      %eq3A_48 = arith.cmpi eq, %arg1, %eq3A_47 : i32
      %convert_element_type3A_49 = arith.extui %eq3A_48 : i1 to i32
      %cond3A_50 = arith.constant 0 : i32
      %cond3A_51 = arith.cmpi ne, %convert_element_type3A_49, %cond3A_50 : i32
      scf.if %cond3A_51 {
        %broadcast_in_dim3A_71 = arith.constant 0.000000e+00 : f32
        %broadcast_in_dim3A_72 = vector.broadcast %broadcast_in_dim3A_71 : f32 to vector<1x128xf32>
        %swap3A_73 = arith.constant 0 : index
        %swap3A_74 = arith.constant 0 : index
        %swap3A_75 = vector.load %arg12[%swap3A_73, %swap3A_74] : memref<1x128xf32, #tpu.memory_space<vmem>>, vector<1x128xf32>
        tpu.vector_store %arg12[%swap3A_73, %swap3A_74], %broadcast_in_dim3A_72 {strides = array<i32>} : memref<1x128xf32, #tpu.memory_space<vmem>>, vector<1x128xf32>,
        %broadcast_in_dim3A_76 = arith.constant 0.000000e+00 : f32
        %broadcast_in_dim3A_77 = vector.broadcast %broadcast_in_dim3A_76 : f32 to vector<1x128xf32>
        %swap3A_78 = arith.constant 0 : index
        %swap3A_79 = arith.constant 0 : index
        %swap3A_80 = vector.load %arg13[%swap3A_78, %swap3A_79] : memref<1x128xf32, #tpu.memory_space<vmem>>, vector<1x128xf32>
        tpu.vector_store %arg13[%swap3A_78, %swap3A_79], %broadcast_in_dim3A_77 {strides = array<i32>} : memref<1x128xf32, #tpu.memory_space<vmem>>, vector<1x128xf32>,
      } else {
      }
      %get3A_52 = arith.constant 0 : index
      %get3A_53 = arith.constant 0 : index
      %get3A_54 = vector.load %arg12[%get3A_52, %get3A_53] : memref<1x128xf32, #tpu.memory_space<vmem>>, vector<1x128xf32>
      %reduce_sum3A = arith.constant dense<0.000000e+00> : vector<128xf32>
      %reduce_sum3A_55 = vector.multi_reduction <add>, %add3A_42, %reduce_sum3A [0] : vector<400x128xf32> to vector<128xf32>
      %broadcast_in_dim3A = vector.shape_cast %reduce_sum3A_55 : vector<128xf32> to vector<1x128xf32>
      %add3A_56 = arith.addf %get3A_54, %broadcast_in_dim3A : vector<1x128xf32>
      %swap3A_57 = arith.constant 0 : index
      %swap3A_58 = arith.constant 0 : index
      %swap3A_59 = vector.load %arg12[%swap3A_57, %swap3A_58] : memref<1x128xf32, #tpu.memory_space<vmem>>, vector<1x128xf32>
      tpu.vector_store %arg12[%swap3A_57, %swap3A_58], %add3A_56 {strides = array<i32>} : memref<1x128xf32, #tpu.memory_space<vmem>>, vector<1x128xf32>,
      %get3A_60 = arith.constant 0 : index
      %get3A_61 = arith.constant 0 : index
      %get3A_62 = vector.load %arg13[%get3A_60, %get3A_61] : memref<1x128xf32, #tpu.memory_space<vmem>>, vector<1x128xf32>
      %mul3A_63 = arith.mulf %add3A_42, %add3A_42 : vector<400x128xf32>
      %reduce_sum3A_64 = arith.constant dense<0.000000e+00> : vector<128xf32>
      %reduce_sum3A_65 = vector.multi_reduction <add>, %mul3A_63, %reduce_sum3A_64 [0] : vector<400x128xf32> to vector<128xf32>
      %broadcast_in_dim3A_66 = vector.shape_cast %reduce_sum3A_65 : vector<128xf32> to vector<1x128xf32>
      %add3A_67 = arith.addf %get3A_62, %broadcast_in_dim3A_66 : vector<1x128xf32>
      %swap3A_68 = arith.constant 0 : index
      %swap3A_69 = arith.constant 0 : index
      %swap3A_70 = vector.load %arg13[%swap3A_68, %swap3A_69] : memref<1x128xf32, #tpu.memory_space<vmem>>, vector<1x128xf32>
      tpu.vector_store %arg13[%swap3A_68, %swap3A_69], %add3A_67 {strides = array<i32>} : memref<1x128xf32, #tpu.memory_space<vmem>>, vector<1x128xf32>,
    } else {
    }
    %eq3A_2 = arith.constant 1 : i32
    %eq3A_3 = arith.cmpi eq, %arg0, %eq3A_2 : i32
    %convert_element_type3A_4 = arith.extui %eq3A_3 : i1 to i32
    %cond3A_5 = arith.constant 0 : i32
    %cond3A_6 = arith.cmpi ne, %convert_element_type3A_4, %cond3A_5 : i32
    scf.if %cond3A_6 {
      %get3A = arith.constant 0 : index
      %get3A_7 = arith.constant 0 : index
      %get3A_8 = vector.load %arg12[%get3A, %get3A_7] : memref<1x128xf32, #tpu.memory_space<vmem>>, vector<1x128xf32>
      %mul3A = arith.constant 9.99999974E-5 : f32
      %mul3A_9 = vector.broadcast %mul3A : f32 to vector<1x128xf32>
      %mul3A_10 = arith.mulf %get3A_8, %mul3A_9 : vector<1x128xf32>
      %get3A_11 = arith.constant 0 : index
      %get3A_12 = arith.constant 0 : index
      %get3A_13 = vector.load %arg13[%get3A_11, %get3A_12] : memref<1x128xf32, #tpu.memory_space<vmem>>, vector<1x128xf32>
      %mul3A_14 = arith.constant 9.99999974E-5 : f32
      %mul3A_15 = vector.broadcast %mul3A_14 : f32 to vector<1x128xf32>
      %mul3A_16 = arith.mulf %get3A_13, %mul3A_15 : vector<1x128xf32>
      %mul3A_17 = arith.mulf %mul3A_10, %mul3A_10 : vector<1x128xf32>
      %sub3A = arith.subf %mul3A_16, %mul3A_17 : vector<1x128xf32>
      %get3A_18 = arith.constant 0 : index
      %get3A_19 = arith.constant 0 : index
      %get3A_20 = vector.load %arg8[%get3A_18, %get3A_19] : memref<1x128xf32, #tpu.memory_space<vmem>>, vector<1x128xf32>
      %add3A = arith.constant 9.99999974E-6 : f32
      %add3A_21 = vector.broadcast %add3A : f32 to vector<1x128xf32>
      %add3A_22 = arith.addf %sub3A, %add3A_21 : vector<1x128xf32>
      %rsqrt3A = math.rsqrt %add3A_22 : vector<1x128xf32>
      %mul3A_23 = arith.mulf %get3A_20, %rsqrt3A : vector<1x128xf32>
      %get3A_24 = arith.constant 0 : index
      %get3A_25 = arith.constant 0 : index
      %get3A_26 = vector.load %arg9[%get3A_24, %get3A_25] : memref<1x128xf32, #tpu.memory_space<vmem>>, vector<1x128xf32>
      %mul3A_27 = arith.mulf %mul3A_10, %mul3A_23 : vector<1x128xf32>
      %sub3A_28 = arith.subf %get3A_26, %mul3A_27 : vector<1x128xf32>
      %mul3A_29 = arith.constant 400 : i32
      %mul3A_30 = arith.muli %arg1, %mul3A_29 : i32
      %get3A_31 = arith.index_cast %mul3A_30 : i32 to index
      %get3A_32 = arith.constant 0 : index
      %get3A_33 = vector.load %arg11[%get3A_31, %get3A_32] : memref<10000x128xf32, #tpu.memory_space<vmem>>, vector<400x128xf32>
      %mul3A_34 = vector.broadcast %mul3A_23 : vector<1x128xf32> to vector<400x128xf32>
      %mul3A_35 = arith.mulf %get3A_33, %mul3A_34 : vector<400x128xf32>
      %add3A_36 = vector.broadcast %sub3A_28 : vector<1x128xf32> to vector<400x128xf32>
      %add3A_37 = arith.addf %mul3A_35, %add3A_36 : vector<400x128xf32>
      %max3A = arith.constant 0.000000e+00 : f32
      %max3A_38 = vector.broadcast %max3A : f32 to vector<400x128xf32>
      %max3A_39 = arith.maximumf %add3A_37, %max3A_38 : vector<400x128xf32>
      %swap3A = arith.constant 0 : index
      %swap3A_40 = arith.constant 0 : index
      %swap3A_41 = vector.load %arg10[%swap3A, %swap3A_40] : memref<400x128xf32, #tpu.memory_space<vmem>>, vector<400x128xf32>
      tpu.vector_store %arg10[%swap3A, %swap3A_40], %max3A_39 {strides = array<i32>} : memref<400x128xf32, #tpu.memory_space<vmem>>, vector<400x128xf32>,
    } else {
    }
    return
  }
  func.func @transform_0(%arg0: i32, %arg1: i32) -> (i32, i32) {
    %sub3A = arith.constant 1 : i32
    %sub3A_0 = arith.subi %sub3A, %arg0 : i32
    %mul3A = arith.muli %arg1, %sub3A_0 : i32
    %c0_i32 = arith.constant 0 : i32
    %c0_i32_1 = arith.constant 0 : i32
    return %mul3A, %c0_i32 : i32, i32
  }
  func.func @transform_1(%arg0: i32, %arg1: i32) -> (i32, i32, i32) {
    %sub3A = arith.constant 1 : i32
    %sub3A_0 = arith.subi %sub3A, %arg0 : i32
    %mul3A = arith.muli %arg1, %sub3A_0 : i32
    %c0_i32 = arith.constant 0 : i32
    %c0_i32_1 = arith.constant 0 : i32
    %c0_i32_2 = arith.constant 0 : i32
    return %c0_i32, %mul3A, %c0_i32_1 : i32, i32, i32
  }
  func.func @transform_2(%arg0: i32, %arg1: i32) -> (i32, i32) {
    %c0_i32 = arith.constant 0 : i32
    %c0_i32_0 = arith.constant 0 : i32
    %c0_i32_1 = arith.constant 0 : i32
    return %c0_i32, %c0_i32_0 : i32, i32
  }
  func.func @transform_3(%arg0: i32, %arg1: i32) -> (i32, i32) {
    %c0_i32 = arith.constant 0 : i32
    %c0_i32_0 = arith.constant 0 : i32
    %c0_i32_1 = arith.constant 0 : i32
    return %c0_i32, %c0_i32_0 : i32, i32
  }
  func.func @transform_4(%arg0: i32, %arg1: i32) -> (i32, i32) {
    %c0_i32 = arith.constant 0 : i32
    %c0_i32_0 = arith.constant 0 : i32
    %c0_i32_1 = arith.constant 0 : i32
    return %c0_i32, %c0_i32_0 : i32, i32
  }
  func.func @transform_5(%arg0: i32, %arg1: i32) -> (i32, i32) {
    %c0_i32 = arith.constant 0 : i32
    %c0_i32_0 = arith.constant 0 : i32
    %c0_i32_1 = arith.constant 0 : i32
    return %c0_i32, %c0_i32_0 : i32, i32
  }
  func.func @transform_6(%arg0: i32, %arg1: i32) -> (i32, i32) {
    %c0_i32 = arith.constant 0 : i32
    %c0_i32_0 = arith.constant 0 : i32
    %c0_i32_1 = arith.constant 0 : i32
    return %c0_i32, %c0_i32_0 : i32, i32
  }
  func.func @transform_7(%arg0: i32, %arg1: i32) -> (i32, i32) {
    %c0_i32 = arith.constant 0 : i32
    %c0_i32_0 = arith.constant 0 : i32
    %c0_i32_1 = arith.constant 0 : i32
    return %c0_i32, %c0_i32_0 : i32, i32
  }
  func.func @transform_8(%arg0: i32, %arg1: i32) -> (i32, i32) {
    %mul3A = arith.muli %arg1, %arg0 : i32
    %c0_i32 = arith.constant 0 : i32
    %c0_i32_0 = arith.constant 0 : i32
    return %mul3A, %c0_i32 : i32, i32
  }
}

module attributes {stable_mosaic.version = 14 : i64} {
  func.func @_mlp_bn_pool_body(%arg0: i32, %arg1: i32, %arg2: memref<400x128xf32, #tpu.memory_space<vmem>>, %arg3: memref<2x400x128xf32, #tpu.memory_space<vmem>>, %arg4: memref<128x128xf32, #tpu.memory_space<vmem>>, %arg5: memref<1x128xf32, #tpu.memory_space<vmem>>, %arg6: memref<128x128xf32, #tpu.memory_space<vmem>>, %arg7: memref<1x128xf32, #tpu.memory_space<vmem>>, %arg8: memref<1x128xf32, #tpu.memory_space<vmem>>, %arg9: memref<1x128xf32, #tpu.memory_space<vmem>>, %arg10: memref<1x1x400xi32, #tpu.memory_space<vmem>>, %arg11: memref<128x64xf32, #tpu.memory_space<vmem>>, %arg12: memref<1x64xf32, #tpu.memory_space<vmem>>, %arg13: memref<128x64xf32, #tpu.memory_space<vmem>>, %arg14: memref<10000x128xf32, #tpu.memory_space<vmem>>, %arg15: memref<1x128xf32, #tpu.memory_space<vmem>>, %arg16: memref<1x128xf32, #tpu.memory_space<vmem>>, %arg17: memref<128x128xf32, #tpu.memory_space<vmem>>) attributes {dimension_semantics = [#tpu.dimension_semantics<arbitrary>, #tpu.dimension_semantics<arbitrary>], iteration_bounds = array<i64: 2, 25>, scalar_prefetch = 0 : i64, scratch_operands = 4 : i64, tpu.core_type = #tpu.core_type<tc>, window_params = [{transform_indices = @transform_0, window_bounds = array<i64: 400, 128>}, {transform_indices = @transform_1, window_bounds = array<i64: 2, 400, 128>}, {pipeline_mode = #tpu.pipeline_mode<synchronous>, transform_indices = @transform_2, window_bounds = array<i64: 128, 128>}, {pipeline_mode = #tpu.pipeline_mode<synchronous>, transform_indices = @transform_3, window_bounds = array<i64: 1, 128>}, {pipeline_mode = #tpu.pipeline_mode<synchronous>, transform_indices = @transform_4, window_bounds = array<i64: 128, 128>}, {pipeline_mode = #tpu.pipeline_mode<synchronous>, transform_indices = @transform_5, window_bounds = array<i64: 1, 128>}, {pipeline_mode = #tpu.pipeline_mode<synchronous>, transform_indices = @transform_6, window_bounds = array<i64: 1, 128>}, {pipeline_mode = #tpu.pipeline_mode<synchronous>, transform_indices = @transform_7, window_bounds = array<i64: 1, 128>}, {transform_indices = @transform_8, window_bounds = array<i64: 1, 1, 400>}, {pipeline_mode = #tpu.pipeline_mode<synchronous>, transform_indices = @transform_9, window_bounds = array<i64: 128, 64>}, {pipeline_mode = #tpu.pipeline_mode<synchronous>, transform_indices = @transform_10, window_bounds = array<i64: 1, 64>}, {pipeline_mode = #tpu.pipeline_mode<synchronous>, transform_indices = @transform_11, window_bounds = array<i64: 128, 64>}]} {
    %eq3A = arith.constant 0 : i32
    %eq3A_0 = arith.cmpi eq, %arg0, %eq3A : i32
    %convert_element_type3A = arith.extui %eq3A_0 : i1 to i32
    %cond3A = arith.constant 0 : i32
    %cond3A_1 = arith.cmpi ne, %convert_element_type3A, %cond3A : i32
    scf.if %cond3A_1 {
      %get3A = arith.constant 0 : index
      %get3A_7 = arith.constant 0 : index
      %get3A_8 = vector.load %arg2[%get3A, %get3A_7] : memref<400x128xf32, #tpu.memory_space<vmem>>, vector<400x128xf32>
      %mul3A = arith.constant 1.000000e+00 : f32
      %mul3A_9 = vector.broadcast %mul3A : f32 to vector<400x128xf32>
      %mul3A_10 = arith.mulf %get3A_8, %mul3A_9 : vector<400x128xf32>
      %get3A_11 = arith.constant 0 : index
      %get3A_12 = arith.constant 0 : index
      %get3A_13 = arith.constant 0 : index
      %get3A_14 = vector.load %arg3[%get3A_11, %get3A_12, %get3A_13] : memref<2x400x128xf32, #tpu.memory_space<vmem>>, vector<1x400x128xf32>
      %get3A_15 = vector.shape_cast %get3A_14 : vector<1x400x128xf32> to vector<400x128xf32>
      %add3A = arith.addf %mul3A_10, %get3A_15 : vector<400x128xf32>
      %get3A_16 = arith.constant 1 : index
      %get3A_17 = arith.constant 0 : index
      %get3A_18 = arith.constant 0 : index
      %get3A_19 = vector.load %arg3[%get3A_16, %get3A_17, %get3A_18] : memref<2x400x128xf32, #tpu.memory_space<vmem>>, vector<1x400x128xf32>
      %get3A_20 = vector.shape_cast %get3A_19 : vector<1x400x128xf32> to vector<400x128xf32>
      %add3A_21 = arith.addf %add3A, %get3A_20 : vector<400x128xf32>
      %get3A_22 = arith.constant 0 : index
      %get3A_23 = arith.constant 0 : index
      %get3A_24 = vector.load %arg4[%get3A_22, %get3A_23] : memref<128x128xf32, #tpu.memory_space<vmem>>, vector<128x128xf32>
      %dot_general3A = arith.constant dense<0.000000e+00> : vector<400x128xf32>
      %dot_general3A_25 = tpu.matmul %add3A_21, %get3A_24, %dot_general3A {dimension_numbers = #tpu.dot_dimension_numbers<[1], [0], [0], [1], [0, 0, 1, 1], [], []>, transpose_lhs_hint = false} : vector<400x128xf32>, vector<128x128xf32>, vector<400x128xf32> -> vector<400x128xf32>
      %get3A_26 = arith.constant 0 : index
      %get3A_27 = arith.constant 0 : index
      %get3A_28 = vector.load %arg5[%get3A_26, %get3A_27] : memref<1x128xf32, #tpu.memory_space<vmem>>, vector<1x128xf32>
      %add3A_29 = vector.broadcast %get3A_28 : vector<1x128xf32> to vector<400x128xf32>
      %add3A_30 = arith.addf %dot_general3A_25, %add3A_29 : vector<400x128xf32>
      %max3A = arith.constant 0.000000e+00 : f32
      %max3A_31 = vector.broadcast %max3A : f32 to vector<400x128xf32>
      %max3A_32 = arith.maximumf %add3A_30, %max3A_31 : vector<400x128xf32>
      %get3A_33 = arith.constant 0 : index
      %get3A_34 = arith.constant 0 : index
      %get3A_35 = vector.load %arg6[%get3A_33, %get3A_34] : memref<128x128xf32, #tpu.memory_space<vmem>>, vector<128x128xf32>
      %dot_general3A_36 = arith.constant dense<0.000000e+00> : vector<400x128xf32>
      %dot_general3A_37 = tpu.matmul %max3A_32, %get3A_35, %dot_general3A_36 {dimension_numbers = #tpu.dot_dimension_numbers<[1], [0], [0], [1], [0, 0, 1, 1], [], []>, transpose_lhs_hint = false} : vector<400x128xf32>, vector<128x128xf32>, vector<400x128xf32> -> vector<400x128xf32>
      %get3A_38 = arith.constant 0 : index
      %get3A_39 = arith.constant 0 : index
      %get3A_40 = vector.load %arg7[%get3A_38, %get3A_39] : memref<1x128xf32, #tpu.memory_space<vmem>>, vector<1x128xf32>
      %add3A_41 = vector.broadcast %get3A_40 : vector<1x128xf32> to vector<400x128xf32>
      %add3A_42 = arith.addf %dot_general3A_37, %add3A_41 : vector<400x128xf32>
      %mul3A_43 = arith.constant 400 : i32
      %mul3A_44 = arith.muli %arg1, %mul3A_43 : i32
      %swap3A = arith.index_cast %mul3A_44 : i32 to index
      %swap3A_45 = arith.constant 0 : index
      %swap3A_46 = vector.load %arg14[%swap3A, %swap3A_45] : memref<10000x128xf32, #tpu.memory_space<vmem>>, vector<400x128xf32>
      tpu.vector_store %arg14[%swap3A, %swap3A_45], %add3A_42 {strides = array<i32>} : memref<10000x128xf32, #tpu.memory_space<vmem>>, vector<400x128xf32>,
      %eq3A_47 = arith.constant 0 : i32
      %eq3A_48 = arith.cmpi eq, %arg1, %eq3A_47 : i32
      %convert_element_type3A_49 = arith.extui %eq3A_48 : i1 to i32
      %cond3A_50 = arith.constant 0 : i32
      %cond3A_51 = arith.cmpi ne, %convert_element_type3A_49, %cond3A_50 : i32
      scf.if %cond3A_51 {
        %broadcast_in_dim3A_71 = arith.constant 0.000000e+00 : f32
        %broadcast_in_dim3A_72 = vector.broadcast %broadcast_in_dim3A_71 : f32 to vector<1x128xf32>
        %swap3A_73 = arith.constant 0 : index
        %swap3A_74 = arith.constant 0 : index
        %swap3A_75 = vector.load %arg15[%swap3A_73, %swap3A_74] : memref<1x128xf32, #tpu.memory_space<vmem>>, vector<1x128xf32>
        tpu.vector_store %arg15[%swap3A_73, %swap3A_74], %broadcast_in_dim3A_72 {strides = array<i32>} : memref<1x128xf32, #tpu.memory_space<vmem>>, vector<1x128xf32>,
        %broadcast_in_dim3A_76 = arith.constant 0.000000e+00 : f32
        %broadcast_in_dim3A_77 = vector.broadcast %broadcast_in_dim3A_76 : f32 to vector<1x128xf32>
        %swap3A_78 = arith.constant 0 : index
        %swap3A_79 = arith.constant 0 : index
        %swap3A_80 = vector.load %arg16[%swap3A_78, %swap3A_79] : memref<1x128xf32, #tpu.memory_space<vmem>>, vector<1x128xf32>
        tpu.vector_store %arg16[%swap3A_78, %swap3A_79], %broadcast_in_dim3A_77 {strides = array<i32>} : memref<1x128xf32, #tpu.memory_space<vmem>>, vector<1x128xf32>,
      } else {
      }
      %get3A_52 = arith.constant 0 : index
      %get3A_53 = arith.constant 0 : index
      %get3A_54 = vector.load %arg15[%get3A_52, %get3A_53] : memref<1x128xf32, #tpu.memory_space<vmem>>, vector<1x128xf32>
      %reduce_sum3A = arith.constant dense<0.000000e+00> : vector<128xf32>
      %reduce_sum3A_55 = vector.multi_reduction <add>, %add3A_42, %reduce_sum3A [0] : vector<400x128xf32> to vector<128xf32>
      %broadcast_in_dim3A = vector.shape_cast %reduce_sum3A_55 : vector<128xf32> to vector<1x128xf32>
      %add3A_56 = arith.addf %get3A_54, %broadcast_in_dim3A : vector<1x128xf32>
      %swap3A_57 = arith.constant 0 : index
      %swap3A_58 = arith.constant 0 : index
      %swap3A_59 = vector.load %arg15[%swap3A_57, %swap3A_58] : memref<1x128xf32, #tpu.memory_space<vmem>>, vector<1x128xf32>
      tpu.vector_store %arg15[%swap3A_57, %swap3A_58], %add3A_56 {strides = array<i32>} : memref<1x128xf32, #tpu.memory_space<vmem>>, vector<1x128xf32>,
      %get3A_60 = arith.constant 0 : index
      %get3A_61 = arith.constant 0 : index
      %get3A_62 = vector.load %arg16[%get3A_60, %get3A_61] : memref<1x128xf32, #tpu.memory_space<vmem>>, vector<1x128xf32>
      %mul3A_63 = arith.mulf %add3A_42, %add3A_42 : vector<400x128xf32>
      %reduce_sum3A_64 = arith.constant dense<0.000000e+00> : vector<128xf32>
      %reduce_sum3A_65 = vector.multi_reduction <add>, %mul3A_63, %reduce_sum3A_64 [0] : vector<400x128xf32> to vector<128xf32>
      %broadcast_in_dim3A_66 = vector.shape_cast %reduce_sum3A_65 : vector<128xf32> to vector<1x128xf32>
      %add3A_67 = arith.addf %get3A_62, %broadcast_in_dim3A_66 : vector<1x128xf32>
      %swap3A_68 = arith.constant 0 : index
      %swap3A_69 = arith.constant 0 : index
      %swap3A_70 = vector.load %arg16[%swap3A_68, %swap3A_69] : memref<1x128xf32, #tpu.memory_space<vmem>>, vector<1x128xf32>
      tpu.vector_store %arg16[%swap3A_68, %swap3A_69], %add3A_67 {strides = array<i32>} : memref<1x128xf32, #tpu.memory_space<vmem>>, vector<1x128xf32>,
    } else {
    }
    %eq3A_2 = arith.constant 1 : i32
    %eq3A_3 = arith.cmpi eq, %arg0, %eq3A_2 : i32
    %convert_element_type3A_4 = arith.extui %eq3A_3 : i1 to i32
    %cond3A_5 = arith.constant 0 : i32
    %cond3A_6 = arith.cmpi ne, %convert_element_type3A_4, %cond3A_5 : i32
    scf.if %cond3A_6 {
      %get3A = arith.constant 0 : index
      %get3A_7 = arith.constant 0 : index
      %get3A_8 = vector.load %arg15[%get3A, %get3A_7] : memref<1x128xf32, #tpu.memory_space<vmem>>, vector<1x128xf32>
      %mul3A = arith.constant 9.99999974E-5 : f32
      %mul3A_9 = vector.broadcast %mul3A : f32 to vector<1x128xf32>
      %mul3A_10 = arith.mulf %get3A_8, %mul3A_9 : vector<1x128xf32>
      %get3A_11 = arith.constant 0 : index
      %get3A_12 = arith.constant 0 : index
      %get3A_13 = vector.load %arg16[%get3A_11, %get3A_12] : memref<1x128xf32, #tpu.memory_space<vmem>>, vector<1x128xf32>
      %mul3A_14 = arith.constant 9.99999974E-5 : f32
      %mul3A_15 = vector.broadcast %mul3A_14 : f32 to vector<1x128xf32>
      %mul3A_16 = arith.mulf %get3A_13, %mul3A_15 : vector<1x128xf32>
      %mul3A_17 = arith.mulf %mul3A_10, %mul3A_10 : vector<1x128xf32>
      %sub3A = arith.subf %mul3A_16, %mul3A_17 : vector<1x128xf32>
      %get3A_18 = arith.constant 0 : index
      %get3A_19 = arith.constant 0 : index
      %get3A_20 = vector.load %arg8[%get3A_18, %get3A_19] : memref<1x128xf32, #tpu.memory_space<vmem>>, vector<1x128xf32>
      %add3A = arith.constant 9.99999974E-6 : f32
      %add3A_21 = vector.broadcast %add3A : f32 to vector<1x128xf32>
      %add3A_22 = arith.addf %sub3A, %add3A_21 : vector<1x128xf32>
      %rsqrt3A = math.rsqrt %add3A_22 : vector<1x128xf32>
      %mul3A_23 = arith.mulf %get3A_20, %rsqrt3A : vector<1x128xf32>
      %get3A_24 = arith.constant 0 : index
      %get3A_25 = arith.constant 0 : index
      %get3A_26 = vector.load %arg9[%get3A_24, %get3A_25] : memref<1x128xf32, #tpu.memory_space<vmem>>, vector<1x128xf32>
      %mul3A_27 = arith.mulf %mul3A_10, %mul3A_23 : vector<1x128xf32>
      %sub3A_28 = arith.subf %get3A_26, %mul3A_27 : vector<1x128xf32>
      %mul3A_29 = arith.constant 400 : i32
      %mul3A_30 = arith.muli %arg1, %mul3A_29 : i32
      %get3A_31 = arith.index_cast %mul3A_30 : i32 to index
      %get3A_32 = arith.constant 0 : index
      %get3A_33 = vector.load %arg14[%get3A_31, %get3A_32] : memref<10000x128xf32, #tpu.memory_space<vmem>>, vector<400x128xf32>
      %mul3A_34 = vector.broadcast %mul3A_23 : vector<1x128xf32> to vector<400x128xf32>
      %mul3A_35 = arith.mulf %get3A_33, %mul3A_34 : vector<400x128xf32>
      %add3A_36 = vector.broadcast %sub3A_28 : vector<1x128xf32> to vector<400x128xf32>
      %add3A_37 = arith.addf %mul3A_35, %add3A_36 : vector<400x128xf32>
      %max3A = arith.constant 0.000000e+00 : f32
      %max3A_38 = vector.broadcast %max3A : f32 to vector<400x128xf32>
      %max3A_39 = arith.maximumf %add3A_37, %max3A_38 : vector<400x128xf32>
      %get3A_40 = arith.constant 0 : index
      %get3A_41 = arith.constant 0 : index
      %get3A_42 = arith.constant 0 : index
      %get3A_43 = vector.load %arg10[%get3A_40, %get3A_41, %get3A_42] : memref<1x1x400xi32, #tpu.memory_space<vmem>>, vector<1x1x400xi32>
      %get3A_44 = vector.shape_cast %get3A_43 : vector<1x1x400xi32> to vector<1x400xi32>
      %iota3A = tpu.iota {dimensions = array<i32: 0>} : vector<128x400xi32>
      %eq3A_45 = vector.broadcast %get3A_44 : vector<1x400xi32> to vector<128x400xi32>
      %eq3A_46 = arith.cmpi eq, %iota3A, %eq3A_45 : vector<128x400xi32>
      %convert_element_type3A_47 = arith.extui %eq3A_46 : vector<128x400xi1> to vector<128x400xi32>
      %convert_element_type3A_48 = arith.sitofp %convert_element_type3A_47 : vector<128x400xi32> to vector<128x400xf32>
      %dot_general3A = arith.constant dense<0.000000e+00> : vector<128x128xf32>
      %dot_general3A_49 = tpu.matmul %convert_element_type3A_48, %max3A_39, %dot_general3A {dimension_numbers = #tpu.dot_dimension_numbers<[1], [0], [0], [1], [0, 0, 1, 1], [], []>, transpose_lhs_hint = false} : vector<128x400xf32>, vector<400x128xf32>, vector<128x128xf32> -> vector<128x128xf32>
      %eq3A_50 = arith.constant 0 : i32
      %eq3A_51 = arith.cmpi eq, %arg1, %eq3A_50 : i32
      %convert_element_type3A_52 = arith.extui %eq3A_51 : i1 to i32
      %cond3A_53 = arith.constant 0 : i32
      %cond3A_54 = arith.cmpi ne, %convert_element_type3A_52, %cond3A_53 : i32
      scf.if %cond3A_54 {
        %broadcast_in_dim3A = arith.constant 0.000000e+00 : f32
        %broadcast_in_dim3A_66 = vector.broadcast %broadcast_in_dim3A : f32 to vector<128x128xf32>
        %swap3A_67 = arith.constant 0 : index
        %swap3A_68 = arith.constant 0 : index
        %swap3A_69 = vector.load %arg17[%swap3A_67, %swap3A_68] : memref<128x128xf32, #tpu.memory_space<vmem>>, vector<128x128xf32>
        tpu.vector_store %arg17[%swap3A_67, %swap3A_68], %broadcast_in_dim3A_66 {strides = array<i32>} : memref<128x128xf32, #tpu.memory_space<vmem>>, vector<128x128xf32>,
      } else {
      }
      %get3A_55 = arith.constant 0 : index
      %get3A_56 = arith.constant 0 : index
      %get3A_57 = vector.load %arg17[%get3A_55, %get3A_56] : memref<128x128xf32, #tpu.memory_space<vmem>>, vector<128x128xf32>
      %add3A_58 = arith.addf %get3A_57, %dot_general3A_49 : vector<128x128xf32>
      %swap3A = arith.constant 0 : index
      %swap3A_59 = arith.constant 0 : index
      %swap3A_60 = vector.load %arg17[%swap3A, %swap3A_59] : memref<128x128xf32, #tpu.memory_space<vmem>>, vector<128x128xf32>
      tpu.vector_store %arg17[%swap3A, %swap3A_59], %add3A_58 {strides = array<i32>} : memref<128x128xf32, #tpu.memory_space<vmem>>, vector<128x128xf32>,
      %eq3A_61 = arith.constant 24 : i32
      %eq3A_62 = arith.cmpi eq, %arg1, %eq3A_61 : i32
      %convert_element_type3A_63 = arith.extui %eq3A_62 : i1 to i32
      %cond3A_64 = arith.constant 0 : i32
      %cond3A_65 = arith.cmpi ne, %convert_element_type3A_63, %cond3A_64 : i32
      scf.if %cond3A_65 {
        %get3A_66 = arith.constant 0 : index
        %get3A_67 = arith.constant 0 : index
        %get3A_68 = vector.load %arg17[%get3A_66, %get3A_67] : memref<128x128xf32, #tpu.memory_space<vmem>>, vector<128x128xf32>
        %get3A_69 = arith.constant 0 : index
        %get3A_70 = arith.constant 0 : index
        %get3A_71 = vector.load %arg11[%get3A_69, %get3A_70] : memref<128x64xf32, #tpu.memory_space<vmem>>, vector<128x64xf32>
        %dot_general3A_72 = arith.constant dense<0.000000e+00> : vector<128x64xf32>
        %dot_general3A_73 = tpu.matmul %get3A_68, %get3A_71, %dot_general3A_72 {dimension_numbers = #tpu.dot_dimension_numbers<[1], [0], [0], [1], [0, 0, 1, 1], [], []>, transpose_lhs_hint = false} : vector<128x128xf32>, vector<128x64xf32>, vector<128x64xf32> -> vector<128x64xf32>
        %get3A_74 = arith.constant 0 : index
        %get3A_75 = arith.constant 0 : index
        %get3A_76 = vector.load %arg12[%get3A_74, %get3A_75] : memref<1x64xf32, #tpu.memory_space<vmem>>, vector<1x64xf32>
        %add3A_77 = vector.broadcast %get3A_76 : vector<1x64xf32> to vector<128x64xf32>
        %add3A_78 = arith.addf %dot_general3A_73, %add3A_77 : vector<128x64xf32>
        %reduce_max3A = arith.constant dense<0xFF800000> : vector<128xf32>
        %reduce_max3A_79 = vector.multi_reduction <maximumf>, %add3A_78, %reduce_max3A [1] : vector<128x64xf32> to vector<128xf32>
        %broadcast_in_dim3A = vector.shape_cast %reduce_max3A_79 : vector<128xf32> to vector<128x1xf32>
        %sub3A_80 = vector.broadcast %broadcast_in_dim3A : vector<128x1xf32> to vector<128x64xf32>
        %sub3A_81 = arith.subf %add3A_78, %sub3A_80 : vector<128x64xf32>
        %exp3A = math.exp %sub3A_81 : vector<128x64xf32>
        %reduce_sum3A = arith.constant dense<0.000000e+00> : vector<128xf32>
        %reduce_sum3A_82 = vector.multi_reduction <add>, %exp3A, %reduce_sum3A [1] : vector<128x64xf32> to vector<128xf32>
        %broadcast_in_dim3A_83 = vector.shape_cast %reduce_sum3A_82 : vector<128xf32> to vector<128x1xf32>
        %log3A = math.log %broadcast_in_dim3A_83 : vector<128x1xf32>
        %sub3A_84 = vector.broadcast %broadcast_in_dim3A : vector<128x1xf32> to vector<128x64xf32>
        %sub3A_85 = arith.subf %add3A_78, %sub3A_84 : vector<128x64xf32>
        %sub3A_86 = vector.broadcast %log3A : vector<128x1xf32> to vector<128x64xf32>
        %sub3A_87 = arith.subf %sub3A_85, %sub3A_86 : vector<128x64xf32>
        %swap3A_88 = arith.constant 0 : index
        %swap3A_89 = arith.constant 0 : index
        %swap3A_90 = vector.load %arg13[%swap3A_88, %swap3A_89] : memref<128x64xf32, #tpu.memory_space<vmem>>, vector<128x64xf32>
        tpu.vector_store %arg13[%swap3A_88, %swap3A_89], %sub3A_87 {strides = array<i32>} : memref<128x64xf32, #tpu.memory_space<vmem>>, vector<128x64xf32>,
      } else {
      }
    } else {
    }
    return
  }
  func.func @transform_0(%arg0: i32, %arg1: i32) -> (i32, i32) {
    %sub3A = arith.constant 1 : i32
    %sub3A_0 = arith.subi %sub3A, %arg0 : i32
    %mul3A = arith.muli %arg1, %sub3A_0 : i32
    %c0_i32 = arith.constant 0 : i32
    %c0_i32_1 = arith.constant 0 : i32
    return %mul3A, %c0_i32 : i32, i32
  }
  func.func @transform_1(%arg0: i32, %arg1: i32) -> (i32, i32, i32) {
    %sub3A = arith.constant 1 : i32
    %sub3A_0 = arith.subi %sub3A, %arg0 : i32
    %mul3A = arith.muli %arg1, %sub3A_0 : i32
    %c0_i32 = arith.constant 0 : i32
    %c0_i32_1 = arith.constant 0 : i32
    %c0_i32_2 = arith.constant 0 : i32
    return %c0_i32, %mul3A, %c0_i32_1 : i32, i32, i32
  }
  func.func @transform_2(%arg0: i32, %arg1: i32) -> (i32, i32) {
    %c0_i32 = arith.constant 0 : i32
    %c0_i32_0 = arith.constant 0 : i32
    %c0_i32_1 = arith.constant 0 : i32
    return %c0_i32, %c0_i32_0 : i32, i32
  }
  func.func @transform_3(%arg0: i32, %arg1: i32) -> (i32, i32) {
    %c0_i32 = arith.constant 0 : i32
    %c0_i32_0 = arith.constant 0 : i32
    %c0_i32_1 = arith.constant 0 : i32
    return %c0_i32, %c0_i32_0 : i32, i32
  }
  func.func @transform_4(%arg0: i32, %arg1: i32) -> (i32, i32) {
    %c0_i32 = arith.constant 0 : i32
    %c0_i32_0 = arith.constant 0 : i32
    %c0_i32_1 = arith.constant 0 : i32
    return %c0_i32, %c0_i32_0 : i32, i32
  }
  func.func @transform_5(%arg0: i32, %arg1: i32) -> (i32, i32) {
    %c0_i32 = arith.constant 0 : i32
    %c0_i32_0 = arith.constant 0 : i32
    %c0_i32_1 = arith.constant 0 : i32
    return %c0_i32, %c0_i32_0 : i32, i32
  }
  func.func @transform_6(%arg0: i32, %arg1: i32) -> (i32, i32) {
    %c0_i32 = arith.constant 0 : i32
    %c0_i32_0 = arith.constant 0 : i32
    %c0_i32_1 = arith.constant 0 : i32
    return %c0_i32, %c0_i32_0 : i32, i32
  }
  func.func @transform_7(%arg0: i32, %arg1: i32) -> (i32, i32) {
    %c0_i32 = arith.constant 0 : i32
    %c0_i32_0 = arith.constant 0 : i32
    %c0_i32_1 = arith.constant 0 : i32
    return %c0_i32, %c0_i32_0 : i32, i32
  }
  func.func @transform_8(%arg0: i32, %arg1: i32) -> (i32, i32, i32) {
    %mul3A = arith.muli %arg1, %arg0 : i32
    %c0_i32 = arith.constant 0 : i32
    %c0_i32_0 = arith.constant 0 : i32
    %c0_i32_1 = arith.constant 0 : i32
    return %mul3A, %c0_i32, %c0_i32_0 : i32, i32, i32
  }
  func.func @transform_9(%arg0: i32, %arg1: i32) -> (i32, i32) {
    %c0_i32 = arith.constant 0 : i32
    %c0_i32_0 = arith.constant 0 : i32
    %c0_i32_1 = arith.constant 0 : i32
    return %c0_i32, %c0_i32_0 : i32, i32
  }
  func.func @transform_10(%arg0: i32, %arg1: i32) -> (i32, i32) {
    %c0_i32 = arith.constant 0 : i32
    %c0_i32_0 = arith.constant 0 : i32
    %c0_i32_1 = arith.constant 0 : i32
    return %c0_i32, %c0_i32_0 : i32, i32
  }
  func.func @transform_11(%arg0: i32, %arg1: i32) -> (i32, i32) {
    %c0_i32 = arith.constant 0 : i32
    %c0_i32_0 = arith.constant 0 : i32
    %c0_i32_1 = arith.constant 0 : i32
    return %c0_i32, %c0_i32_0 : i32, i32
  }
}

</mosaic_0001>

<sc_bundles>
// kernel: kernel.6.cloned.1.call-start
scs
__scs_entry_jumppad:
0x0: {  	(pc) =	sbr.rel $0x88, $3  }
0x1: {  	(tag) =	ssettag $0x0;
	lr =	simm.s32 $0x1  }
0x2: {  	[smem:$0x3F90] =	sst lr;
	_ =	strace $0xD0000000  }
0x3: {  	_ = 	snop  }
0x4: {  	_ = 	snop  }
0x5: {  	_ = 	snop  }
0x6: {  	_ = 	snop  }
0x7: {  	_ = 	snop  }
__scs_overlays_trampoline_lowered:
0x8: {  	[smem:$0x3F9F] =	sst s0  }
0x9: {  	[smem:$0x3FA0] =	sst s1  }
0xa: {  	[smem:$0x3FA1] =	sst s2  }
0xb: {  	[smem:$0x3FA2] =	sst s3  }
0xc: {  	[smem:$0x3FA3] =	sst s4  }
0xd: {  	[smem:$0x3FA4] =	sst s5  }
0xe: {  	[smem:$0x3FA5] =	sst s6  }
0xf: {  	[smem:$0x3FA6] =	sst s7  }
0x10: {  	[smem:$0x3FA7] =	sst s8  }
0x11: {  	[smem:$0x3FA8] =	sst s9;
	s0 =	simm.s32 @!p0 $0x0  }
0x12: {  	s1 =	sld [smem:$0x3F8E];
	s0 =	simm.s32 @p0 $0x1  }
0x13: {  	[smem:$0x3FA9] =	sst s0;
	s0 =	simm.s32 @!p1 $0x0  }
0x14: {  	s2 =	sld [smem:$0x3F8D];
	s0 =	simm.s32 @p1 $0x1  }
0x15: {  	[smem:$0x3FAA] =	sst s0;
	s0 =	simm.s32 @!p2 $0x0  }
0x16: {  	s3 =	sld [smem:$0x3FDB];
	s0 =	simm.s32 @p2 $0x1  }
0x17: {  	s4 =	simm.s32 $0x1BF5;
	[smem:$0x3FAC] =	sst s0  }
0x18: {  	s0 =	sld [smem:$0x3F8F];
	_ =	swait.ge [sflag:s4], $0x0  }
0x19: {  	s7 =	sld [smem:$0x3F90]  }
0x1a: {  	s8 =	sadd.s32 $0xFFFFE003, lr  }
0x1b: {  	s9 =	sadd.s32 $0xFFFFFEF7, lr;
	s5 =	simm.s32 $0xFFFFFFFF;
	p2 =	slt.u32 s8, $0xFFFFF086  }
0x1c: {  	p1 =	slt.u32 s9, $0xF7A;
	s5 =	simm.s32 @!p2 $0x0  }
0x1d: {  	s5 =	simm.s32 @p1 $0x1;
	p0 =	seq.s32 s7, s2  }
0x1e: {  	s7 =	smul.u32 @!p0 $0xF7A, s2;
	p2 =	seq.s32 @!p0 s5, $0x0  }
0x1f: {  	s9 =	smul.u32 $0xF7A, s1;
	s8 =	simm.s32 @!p0 $0x1BF5;
	p2 =	por !p2, p0  }
0x20: {  	[sflag:s8] =	ssyncset.s32 @!p0 $0xFFFFF086;
	s6 =	sadd.s32 @!p0 s3, s7;
	s7 =	simm.s32 @!p0 $0x108  }
0x21: {  	s3 =	sadd.s32 s3, s9;
	s6 =	sadd.s32 @!p0 $0x88, s6;
	s7 =	simm.s32 @p2 $0x1082  }
0x22: {  	[simem:s7], [sflag:s8] =	dma.local @!p0 [hbm:s6], $0xF7A  }
0x23: {  	s9 =	sor.u32 $0xD0000000, s2;
	s6 =	simm.s32 $0x108;
	_ =	swait.ge @!p0 [sflag:s8], $0x0  }
0x24: {  	s3 =	sadd.s32 $0x88, s3;
	s6 =	simm.s32 @!p1 $0x1082;
	[sflag:s4] =	ssyncset.s32 $0xFFFFF086  }
0x25: {  	[simem:s6], [sflag:s4] =	dma.local [hbm:s3], $0xF7A  }
0x26: {  	[smem:$0x3F90] =	sst s1;
	(tag) =	ssettag s2;
	_ =	strace s9  }
0x27: {  	s1 =	sld [smem:$0x3FA0]  }
0x28: {  	s2 =	sld [smem:$0x3FA1]  }
0x29: {  	s4 =	sld [smem:$0x3FA3]  }
0x2a: {  	p0 =	seq.s32 s5, $0x0;
	s5 =	sld [smem:$0x3FA4]  }
0x2b: {  	s6 =	sld [smem:$0x3FA5]  }
0x2c: {  	s7 =	sld [smem:$0x3FA6]  }
0x2d: {  	s3 =	simm.s32 $0x108;
	s8 =	sld [smem:$0x3FA7]  }
0x2e: {  	s3 =	simm.s32 @!p0 $0x1082;
	s9 =	sld [smem:$0x3FA8]  }
0x2f: {  	lr =	sadd.s32 s0, s3;
	s0 =	sld [smem:$0x3F9F]  }
0x30: {  	s3 =	sld [smem:$0x3FA2]  }
0x31: {  	[smem:$0x3FAB] =	sst s10  }
0x32: {  	s10 =	sld [smem:$0x3FA9];
	_ =	sdelay $0x3  }
0x33: {  	p0 =	seq.s32 s10, $0x1;
	s10 =	sld [smem:$0x3FAB];
	_ =	sdelay $0x3  }
0x34: {  	[smem:$0x3FAB] =	sst s10  }
0x35: {  	s10 =	sld [smem:$0x3FAA];
	_ =	sdelay $0x3  }
0x36: {  	p1 =	seq.s32 s10, $0x1;
	s10 =	sld [smem:$0x3FAB];
	_ =	sdelay $0x3  }
0x37: {  	[smem:$0x3FAB] =	sst s10  }
0x38: {  	s10 =	sld [smem:$0x3FAC]  }
0x39: {  	_ = 	snop;
	(pc) =	sbr.ind lr, $3  }
0x3a: {  	_ = 	snop  }
0x3b: {  	_ = 	snop  }
0x3c: {  	p2 =	seq.s32 s10, $0x1;
	s10 =	sld [smem:$0x3FAB]  }
0x3d: {  	_ =	shalt  }
0x3e: {  	_ =	shalt  }
0x3f: {  	_ =	shalt  }
0x40: {  	_ =	shalt  }
0x41: {  	_ =	shalt  }
0x42: {  	_ =	shalt  }
0x43: {  	_ =	shalt  }
0x44: {  	_ =	shalt  }
0x45: {  	_ =	shalt  }
0x46: {  	_ =	shalt  }
0x47: {  	_ =	shalt  }
0x48: {  	_ =	shalt  }
0x49: {  	_ =	shalt  }
0x4a: {  	_ =	shalt  }
0x4b: {  	_ =	shalt  }
0x4c: {  	_ =	shalt  }
0x4d: {  	_ =	shalt  }
0x4e: {  	_ =	shalt  }
0x4f: {  	_ =	shalt  }
0x50: {  	_ =	shalt  }
0x51: {  	_ =	shalt  }
0x52: {  	_ =	shalt  }
0x53: {  	_ =	shalt  }
0x54: {  	_ =	shalt  }
0x55: {  	_ =	shalt  }
0x56: {  	_ =	shalt  }
0x57: {  	_ =	shalt  }
0x58: {  	_ =	shalt  }
0x59: {  	_ =	shalt  }
0x5a: {  	_ =	shalt  }
0x5b: {  	_ =	shalt  }
0x5c: {  	_ =	shalt  }
0x5d: {  	_ =	shalt  }
0x5e: {  	_ =	shalt  }
0x5f: {  	_ =	shalt  }
0x60: {  	_ =	shalt  }
0x61: {  	_ =	shalt  }
0x62: {  	_ =	shalt  }
0x63: {  	_ =	shalt  }
0x64: {  	_ =	shalt  }
0x65: {  	_ =	shalt  }
0x66: {  	_ =	shalt  }
0x67: {  	_ =	shalt  }
0x68: {  	_ =	shalt  }
0x69: {  	_ =	shalt  }
0x6a: {  	_ =	shalt  }
0x6b: {  	_ =	shalt  }
0x6c: {  	_ =	shalt  }
0x6d: {  	_ =	shalt  }
0x6e: {  	_ =	shalt  }
0x6f: {  	_ =	shalt  }
0x70: {  	_ =	shalt  }
0x71: {  	_ =	shalt  }
0x72: {  	_ =	shalt  }
0x73: {  	_ =	shalt  }
0x74: {  	_ =	shalt  }
0x75: {  	_ =	shalt  }
0x76: {  	_ =	shalt  }
0x77: {  	_ =	shalt  }
0x78: {  	_ =	shalt  }
0x79: {  	_ =	shalt  }
0x7a: {  	_ =	shalt  }
0x7b: {  	_ =	shalt  }
0x7c: {  	_ =	shalt  }
0x7d: {  	_ =	shalt  }
0x7e: {  	_ =	shalt  }
0x7f: {  	_ =	shalt  }
0x80: {  	_ =	shalt  }
0x81: {  	_ =	shalt  }
0x82: {  	_ =	shalt  }
0x83: {  	_ =	shalt  }
0x84: {  	_ =	shalt  }
0x85: {  	_ =	shalt  }
0x86: {  	_ =	shalt  }
0x87: {  	_ =	shalt  }
.Lfunc_end0:
.L_simem_size_0:
called_computation_lowered:
.L_overlay_start_0:
0x88: {  	s2 =	sld [smem:$0x3FD9]  }
0x89: {  	s3 =	sld [smem:$0x3FFE];
	_ =	sdelay $0x1  }
0x8a: {  	s1 =	srdreg.scid  }
0x8b: {  	s0 =	sand.u32 $0x1, s1  }
0x8c: {  	s17 =	sshll.u32 s0, $0xA;
	s2 =	sadd.s32 s3, s2  }
0x8d: {  	s2 =	sadd.s32 s2, s17  }
0x8e: {  	[smem:$0x3FB7] =	sst s2  }
0x8f: {  	_ = 	snop  }
0x90: {  	s2 =	sld [smem:$0x3FC9];
	(tm) =	ssettm $0x1  }
0x91: {  	s18 =	sld [smem:$0x3FFB];
	_ =	sdelay $0x3  }
0x92: {  	_ =	strace s18  }
0x93: {  	s3 =	sld [smem:$0x3FFC];
	_ =	sdelay $0x3  }
0x94: {  	_ =	strace s3  }
0x95: {  	s3 =	sld [smem:$0x3FFD];
	_ =	sdelay $0x3  }
0x96: {  	_ =	strace s3  }
0x97: {  	_ =	strace $0x8FFFFFFF  }
0x98: {  	s19 =	sld [smem:$0x3FDB];
	_ =	sdelay $0x1  }
0x99: {  	s4 =	simm.s32 $_scs_section_size  }
0x9a: {  	s5 =	simm.s32 $_size__tile_overlayer_lowered;
	s6 =	simm.s32 $_tile_overlayer_lowered  }
0x9b: {  	s22 =	simm.s32 $0x1BFF;
	s21 =	sshll.u32 s6, $0x1;
	s3 =	sadd.s32 s4, s19  }
0x9c: {  	s7 =	simm.s32 $0x0;
	s20 =	sshll.u32 s5, $0x1;
	s5 =	sadd.s32 s21, s3  }
0x9d: {  	[timem:s7], [sflag:s22] =	dma.local [hbm:s5], s20  }
0x9e: {  	_ =	swait.ge [sflag:s22], s20  }
0x9f: {  	s4 =	ssub.s32 $0x0, s20;
	[sflag:s22] =	ssyncset.done $0x0  }
0xa0: {  	[sflag:s22] =	ssyncadd.s32 s4;
	_ =	sdelay $0x1  }
0xa1: {  	s23 =	simm.s32 $0x1B8B  }
0xa2: {  	_ =	swait.ge [sflag:s23], $0x1  }
0xa3: {  	[sflag:s23] =	ssyncset.done $0x0  }
0xa4: {  	s25 =	simm.s32 $0x1B8E;
	s24 =	sld [smem:$0x3FFE];
	[sflag:s23] =	ssyncadd.s32 $0xFFFFFFFF  }
0xa5: {  	s26 =	simm.s32 $execute0_lowered;
	[smem:$0x3FD2] =	sst s25  }
0xa6: {  	s5 =	sshll.u32 s26, $0x1;
	_ =	strace $0x80000046;
	[dreg:$0x1] =	wrdreg $0xFFFFFFFF  }
0xa7: {  	s28 =	simm.s32 $_size_execute0_lowered;
	s3 =	sadd.s32 s3, s5;
	[dreg:$0x0] =	wrdreg $0x0  }
0xa8: {  	s5 =	sshll.u32 s28, $0x1;
	[dreg:$0x2] =	wrdreg s3  }
0xa9: {  	[dreg:$0x3] =	wrdreg s5  }
0xaa: {  	[dreg:$0x4] =	wrdreg $0xC0  }
0xab: {  	_ =	task [dreg:s7], $0x5FFFF  }
0xac: {  	[dreg:$0x1] =	wrdreg $0xFFFFFFFF  }
0xad: {  	[dreg:$0x0] =	wrdreg $0x60  }
0xae: {  	[dreg:$0x2] =	wrdreg s2  }
0xaf: {  	[dreg:$0x3] =	wrdreg s24  }
0xb0: {  	[dreg:$0x4] =	wrdreg $0x28000  }
0xb1: {  	[dreg:$0x5] =	wrdreg $0x9  }
0xb2: {  	_ =	task.clear_ibuf [dreg:s7], $0x6FFFF;
	_ =	strace $0x90000046  }
0xb3: {  	s29 =	simm.s32 $0x9;
	_ =	strace $0x80000048  }
0xb4: {  	_ =	swait.ge [sflag:s29], $0x1  }
0xb5: {  	[sflag:s29] =	ssyncadd.s32 $0xFFFFFFFF  }
0xb6: {  	_ =	strace $0x90000048  }
0xb7: {  	_ =	sfence  }
0xb8: {  	s30 =	sld [smem:$0x0];
	_ =	sdelay $0x2  }
0xb9: {  	s31 =	sshll.u32 s1, $0xD;
	s1 =	sshrl.u32 s1, $0x2  }
0xba: {  	s3 =	sand.u32 $0x4000, s31;
	s1 =	sadd.s32 s1, s30  }
0xbb: {  	s0 =	sor.u32 s3, s0;
	s1 =	sshll.u32 s1, $0x11  }
0xbc: {  	s0 =	sor.u32 s1, s0  }
0xbd: {  	s0 =	sadd.s32 $0x8F2B, s0  }
0xbe: {  	[sflag:s0] =	ssyncadd.remote.s32 $0x1  }
0xbf: {  	_ =	sfence.sel $0xFFFF  }
0xc0: {  	[dreg:$0x0] =	wrdreg $0xFFFFFFFF;
	(pc) =	sbr.abs _section_cstart, $3  }
0xc1: {  	[dreg:$0x1] =	wrdreg $0xFFFFFFFF  }
0xc2: {  	_ =	task.clear_ibuf [dreg:s7], $0x2FFFF;
	_ =	strace $0x9FFFFFFF  }
0xc3: {  	(tm) =	ssettm $0x7FFFFFFF  }
tec
execute0_lowered:
.L_overlay_start_1:
0x0: {  	(tag) =	ssettag $0x1  }
0x1: {  	s1 =	rddreg [dreg:$0x0]  }
0x2: {  	s6 =	rddreg [dreg:$0x1]  }
0x3: {  	s2 =	rddreg [dreg:$0x2]  }
0x4: {  	s3 =	srdreg.scid;
	s0 =	rddreg [dreg:$0x3]  }
0x5: {  	s4 =	simm.s32 $0x0;
	s16 =	simm.s32 $0x80;
	s17 =	simm.s32 $0x16400  }
0x6: {  	s18 =	simm.s32 $0x1A400;
	s19 =	simm.s32 $0x1;
	s20 =	simm.s32 $0x3  }
0x7: {  	s21 =	simm.s32 $0x2;
	s22 =	simm.s32 $0x4;
	s23 =	simm.s32 $0x2700  }
0x8: {  	s24 =	simm.s32 $0x2780;
	s7 =	sand.u32 $0x1, s3;
	s3 =	stileid.u32  }
0x9: {  	[smem:$0x7FF] =	sst s4;
	s10 =	sadd.s32 $0xD000, s6;
	s8 =	smul.u32 $0x13C000, s7  }
0xa: {  	s11 =	sadd.s32 $0x3000, s6;
	s5 =	sadd.s32 $0x17000, s6;
	s9 =	smul.u32 $0x13C00, s3  }
0xb: {  	_ =	strace $0x80000047;
	s25 =	sshll.u32 s3, $0x1;
	s12 =	ssub.s32 $0x2, s7  }
0xc: {  	s26 =	smul.u32 $0x4F000, s3;
	s30 =	sshll.u32 s3, $0x6;
	s7 =	sor.u32 s7, s25  }
0xd: {  	s13 =	sshrl.u32 s12, $0x1;
	s25 =	simm.s32 $0x0;
	s8 =	sadd.s32 s9, s8  }
0xe: {  	s7 =	smul.u32 $0x2800, s7;
	s12 =	ssub.s32 s12, s13;
	s28 =	sshrl.u32 s26, $0x2  }
0xf: {  	s8 =	sshrl.u32 s8, $0x3;
	s29 =	sadd.s32 s28, s2;
	s12 =	smax.u32 s12, $0x1  }
0x10: {  	s14 =	sadd.s32 s8, s6;
	s31 =	sshrl.u32 s7, $0x3;
	s6 =	sor.u32 $0x1C05, s30  }
0x11: {  	s13 =	sshrl.u32 s29, $0x3;
	s7 =	sadd.s32 s10, s31;
	s15 =	sadd.s32 $0x280, s31  }
0x12: {  	s8 =	sadd.s32 s11, s31;
	s9 =	sadd.s32 s10, s15;
	s10 =	sadd.s32 s11, s15  }
0x13: {  	s11 =	sadd.s32 $0x19800, s14;
	s14 =	simm.s32 $0x5;
	s15 =	simm.s32 $0x1400  }
.LBB2_1:
0x14: {  	[spmem:s13], [sflag:s6] =	dma.local [hbm:s5], $0x2780  }
0x15: {  	_ =	swait.ge [sflag:s14], $0x2780  }
0x16: {  	[sflag:s14] =	ssyncset.done $0x0  }
0x17: {  	[sflag:s14] =	ssyncadd.s32 $0xFFFFD880  }
0x18: {  	[bflag:$0x0] =	sbarrier.arrive $0xFFFF  }
0x19: {  	[tilespmem:s4], [sflag:$0x5] =	stream.linear.gather [hbm4b:s7+s4], $0x1400, $0x38;
	[tilespmem:$0x1E400] =	vst v63  }
0x1a: {  	_ =	swait.ge [sflag:s14], $0x1400  }
0x1b: {  	[sflag:s14] =	ssyncset.done $0x0  }
0x1c: {  	[sflag:s14] =	ssyncadd.s32 $0xFFFFEC00  }
0x1d: {  	[tilespmem:s15], [sflag:$0x5] =	stream.linear.gather [hbm4b:s8+s4], $0x1400, $0x38;
	[tilespmem:$0x1E400] =	vst v63  }
0x1e: {  	_ =	swait.ge [sflag:s14], $0x1400  }
0x1f: {  	[sflag:s14] =	ssyncset.done $0x0  }
0x20: {  	[sflag:s14] =	ssyncadd.s32 $0xFFFFEC00  }
0x21: {  	[tilespmem:s17], [sflag:$0x1] =	stream.indirect.gather [hbm4b:s1+s16], $0x80, s4, s16, $0xb8;
	[tilespmem:$0x1E400] =	vst v63  }
0x22: {  	_ = 	snop  }
0x23: {  	[tilespmem:s18], [sflag:$0x2] =	stream.indirect.gather [hbm4b:s1+s16], $0x80, s16, s16, $0xb8;
	[tilespmem:$0x1E400] =	vst v63  }
0x24: {  	_ =	swait.ge [sflag:s19], $0x4000  }
0x25: {  	[sflag:s19] =	ssyncset.done $0x0  }
0x26: {  	s26 =	simm.s32 $0x1400;
	[sflag:s19] =	ssyncadd.s32 $0xFFFFC000  }
0x27: {  	[spmem:s2] =	stream.indirect.scatter.add.f32 [tilespmem:s17], [sflag:$0x3], $0x80, s26, s16, $0xb8;
	[tilespmem:$0x1E400] =	vst v63  }
0x28: {  	_ =	swait.ge [sflag:s20], $0x4000  }
0x29: {  	[sflag:s20] =	ssyncset.done $0x0  }
0x2a: {  	s30 =	simm.s32 $0x100;
	[sflag:s20] =	ssyncadd.s32 $0xFFFFC000  }
0x2b: {  	[tilespmem:s17], [sflag:$0x1] =	stream.indirect.gather [hbm4b:s1+s16], $0x80, s30, s16, $0xb8;
	[tilespmem:$0x1E400] =	vst v63  }
0x2c: {  	_ =	swait.ge [sflag:s21], $0x4000  }
0x2d: {  	[sflag:s21] =	ssyncset.done $0x0  }
0x2e: {  	s31 =	simm.s32 $0x1480;
	[sflag:s21] =	ssyncadd.s32 $0xFFFFC000  }
0x2f: {  	[spmem:s2] =	stream.indirect.scatter.add.f32 [tilespmem:s18], [sflag:$0x4], $0x80, s31, s16, $0xb8;
	[tilespmem:$0x1E400] =	vst v63  }
0x30: {  	_ =	swait.ge [sflag:s22], $0x4000  }
0x31: {  	[sflag:s22] =	ssyncset.done $0x0  }
0x32: {  	s28 =	simm.s32 $0x180;
	s26 =	simm.s32 $0x400;
	[sflag:s22] =	ssyncadd.s32 $0xFFFFC000  }
.LBB2_2:
0x33: {  	[tilespmem:s18], [sflag:$0x2] =	stream.indirect.gather [hbm4b:s1+s16], $0x80, s28, s16, $0xb8;
	[tilespmem:$0x1E400] =	vst v63  }
0x34: {  	s28 =	smov.u32 s26  }
0x35: {  	p0 =	sne.s32 s26, $0x4800;
	s26 =	sadd.s32 $0x400, s26;
	_ =	swait.ge [sflag:s19], $0x4000  }
0x36: {  	s28 =	sshra.s32 s28, $0x2;
	[sflag:s19] =	ssyncset.done $0x0  }
0x37: {  	s29 =	sadd.s32 $0x1400, s28;
	[sflag:s19] =	ssyncadd.s32 $0xFFFFC000  }
0x38: {  	[spmem:s2] =	stream.indirect.scatter.add.f32 [tilespmem:s17], [sflag:$0x3], $0x80, s29, s16, $0xb8;
	[tilespmem:$0x1E400] =	vst v63  }
0x39: {  	_ =	swait.ge [sflag:s20], $0x4000  }
0x3a: {  	[sflag:s20] =	ssyncset.done $0x0  }
0x3b: {  	s29 =	sadd.s32 $0x100, s28;
	[sflag:s20] =	ssyncadd.s32 $0xFFFFC000  }
0x3c: {  	[tilespmem:s17], [sflag:$0x1] =	stream.indirect.gather [hbm4b:s1+s16], $0x80, s29, s16, $0xb8;
	[tilespmem:$0x1E400] =	vst v63  }
0x3d: {  	_ =	swait.ge [sflag:s21], $0x4000  }
0x3e: {  	[sflag:s21] =	ssyncset.done $0x0  }
.Ltmp0:
0x3f: {  	s29 =	sadd.s32 $0x1480, s28;
	[sflag:s21] =	ssyncadd.s32 $0xFFFFC000;
	(pc) =	sbr.rel @p0 .LBB2_2-.Ltmp0, $4  }
0x40: {  	[spmem:s2] =	stream.indirect.scatter.add.f32 [tilespmem:s18], [sflag:$0x4], $0x80, s29, s16, $0xb8;
	[tilespmem:$0x1E400] =	vst v63  }
0x41: {  	_ =	swait.ge [sflag:s22], $0x4000  }
0x42: {  	[sflag:s22] =	ssyncset.done $0x0  }
0x43: {  	s28 =	sadd.s32 $0x180, s28;
	[sflag:s22] =	ssyncadd.s32 $0xFFFFC000  }
0x44: {  	[tilespmem:s18], [sflag:$0x2] =	stream.indirect.gather [hbm4b:s1+s16], $0x80, s28, s16, $0xb8;
	[tilespmem:$0x1E400] =	vst v63  }
0x45: {  	_ =	swait.ge [sflag:s19], $0x4000  }
0x46: {  	[sflag:s19] =	ssyncset.done $0x0  }
0x47: {  	[sflag:s19] =	ssyncadd.s32 $0xFFFFC000  }
0x48: {  	[spmem:s2] =	stream.indirect.scatter.add.f32 [tilespmem:s17], [sflag:$0x3], $0x80, s23, s16, $0xb8;
	[tilespmem:$0x1E400] =	vst v63  }
0x49: {  	_ =	swait.ge [sflag:s21], $0x4000  }
0x4a: {  	[sflag:s21] =	ssyncset.done $0x0  }
0x4b: {  	[sflag:s21] =	ssyncadd.s32 $0xFFFFC000  }
0x4c: {  	[spmem:s2] =	stream.indirect.scatter.add.f32 [tilespmem:s18], [sflag:$0x4], $0x80, s24, s16, $0xb8;
	[tilespmem:$0x1E400] =	vst v63  }
0x4d: {  	_ =	swait.ge [sflag:s20], $0x4000  }
0x4e: {  	[sflag:s20] =	ssyncset.done $0x0  }
0x4f: {  	[sflag:s20] =	ssyncadd.s32 $0xFFFFC000  }
0x50: {  	_ =	swait.ge [sflag:s22], $0x4000  }
0x51: {  	[sflag:s22] =	ssyncset.done $0x0  }
0x52: {  	s26 =	simm.s32 $0x0;
	[sflag:s22] =	ssyncadd.s32 $0xFFFFC000  }
0x53: {  	[tilespmem:s26], [sflag:$0x5] =	stream.linear.gather [hbm4b:s9+s26], $0x1400, $0x38;
	[tilespmem:$0x1E400] =	vst v63  }
0x54: {  	_ =	swait.ge [sflag:s14], $0x1400  }
0x55: {  	[sflag:s14] =	ssyncset.done $0x0  }
0x56: {  	[sflag:s14] =	ssyncadd.s32 $0xFFFFEC00  }
0x57: {  	[tilespmem:s15], [sflag:$0x5] =	stream.linear.gather [hbm4b:s10+s26], $0x1400, $0x38;
	[tilespmem:$0x1E400] =	vst v63  }
0x58: {  	_ =	swait.ge [sflag:s14], $0x1400  }
0x59: {  	[sflag:s14] =	ssyncset.done $0x0  }
0x5a: {  	[sflag:s14] =	ssyncadd.s32 $0xFFFFEC00  }
0x5b: {  	[tilespmem:s17], [sflag:$0x1] =	stream.indirect.gather [hbm4b:s1+s16], $0x80, s26, s16, $0xb8;
	[tilespmem:$0x1E400] =	vst v63  }
0x5c: {  	_ = 	snop  }
0x5d: {  	[tilespmem:s18], [sflag:$0x2] =	stream.indirect.gather [hbm4b:s1+s16], $0x80, s16, s16, $0xb8;
	[tilespmem:$0x1E400] =	vst v63  }
0x5e: {  	_ =	swait.ge [sflag:s19], $0x4000  }
0x5f: {  	[sflag:s19] =	ssyncset.done $0x0  }
0x60: {  	s29 =	simm.s32 $0x1400;
	[sflag:s19] =	ssyncadd.s32 $0xFFFFC000  }
0x61: {  	[spmem:s2] =	stream.indirect.scatter.add.f32 [tilespmem:s17], [sflag:$0x3], $0x80, s29, s16, $0xb8;
	[tilespmem:$0x1E400] =	vst v63  }
0x62: {  	_ =	swait.ge [sflag:s20], $0x4000  }
0x63: {  	[sflag:s20] =	ssyncset.done $0x0  }
0x64: {  	s30 =	simm.s32 $0x100;
	[sflag:s20] =	ssyncadd.s32 $0xFFFFC000  }
0x65: {  	[tilespmem:s17], [sflag:$0x1] =	stream.indirect.gather [hbm4b:s1+s16], $0x80, s30, s16, $0xb8;
	[tilespmem:$0x1E400] =	vst v63  }
0x66: {  	_ =	swait.ge [sflag:s21], $0x4000  }
0x67: {  	[sflag:s21] =	ssyncset.done $0x0  }
0x68: {  	s31 =	simm.s32 $0x1480;
	[sflag:s21] =	ssyncadd.s32 $0xFFFFC000  }
0x69: {  	[spmem:s2] =	stream.indirect.scatter.add.f32 [tilespmem:s18], [sflag:$0x4], $0x80, s31, s16, $0xb8;
	[tilespmem:$0x1E400] =	vst v63  }
0x6a: {  	_ =	swait.ge [sflag:s22], $0x4000  }
0x6b: {  	[sflag:s22] =	ssyncset.done $0x0  }
0x6c: {  	s28 =	simm.s32 $0x180;
	s26 =	simm.s32 $0x400;
	[sflag:s22] =	ssyncadd.s32 $0xFFFFC000  }
.LBB2_4:
0x6d: {  	[tilespmem:s18], [sflag:$0x2] =	stream.indirect.gather [hbm4b:s1+s16], $0x80, s28, s16, $0xb8;
	[tilespmem:$0x1E400] =	vst v63  }
0x6e: {  	s28 =	smov.u32 s26  }
0x6f: {  	p0 =	sne.s32 s26, $0x4800;
	s26 =	sadd.s32 $0x400, s26;
	_ =	swait.ge [sflag:s19], $0x4000  }
0x70: {  	s28 =	sshra.s32 s28, $0x2;
	[sflag:s19] =	ssyncset.done $0x0  }
0x71: {  	s29 =	sadd.s32 $0x1400, s28;
	[sflag:s19] =	ssyncadd.s32 $0xFFFFC000  }
0x72: {  	[spmem:s2] =	stream.indirect.scatter.add.f32 [tilespmem:s17], [sflag:$0x3], $0x80, s29, s16, $0xb8;
	[tilespmem:$0x1E400] =	vst v63  }
0x73: {  	_ =	swait.ge [sflag:s20], $0x4000  }
0x74: {  	[sflag:s20] =	ssyncset.done $0x0  }
0x75: {  	s29 =	sadd.s32 $0x100, s28;
	[sflag:s20] =	ssyncadd.s32 $0xFFFFC000  }
0x76: {  	[tilespmem:s17], [sflag:$0x1] =	stream.indirect.gather [hbm4b:s1+s16], $0x80, s29, s16, $0xb8;
	[tilespmem:$0x1E400] =	vst v63  }
0x77: {  	_ =	swait.ge [sflag:s21], $0x4000  }
0x78: {  	[sflag:s21] =	ssyncset.done $0x0  }
.Ltmp1:
0x79: {  	s29 =	sadd.s32 $0x1480, s28;
	[sflag:s21] =	ssyncadd.s32 $0xFFFFC000;
	(pc) =	sbr.rel @p0 .LBB2_4-.Ltmp1, $4  }
0x7a: {  	[spmem:s2] =	stream.indirect.scatter.add.f32 [tilespmem:s18], [sflag:$0x4], $0x80, s29, s16, $0xb8;
	[tilespmem:$0x1E400] =	vst v63  }
0x7b: {  	_ =	swait.ge [sflag:s22], $0x4000  }
0x7c: {  	[sflag:s22] =	ssyncset.done $0x0  }
0x7d: {  	s28 =	sadd.s32 $0x180, s28;
	[sflag:s22] =	ssyncadd.s32 $0xFFFFC000  }
0x7e: {  	[tilespmem:s18], [sflag:$0x2] =	stream.indirect.gather [hbm4b:s1+s16], $0x80, s28, s16, $0xb8;
	[tilespmem:$0x1E400] =	vst v63  }
0x7f: {  	_ =	swait.ge [sflag:s19], $0x4000  }
0x80: {  	[sflag:s19] =	ssyncset.done $0x0  }
0x81: {  	[sflag:s19] =	ssyncadd.s32 $0xFFFFC000  }
0x82: {  	[spmem:s2] =	stream.indirect.scatter.add.f32 [tilespmem:s17], [sflag:$0x3], $0x80, s23, s16, $0xb8;
	[tilespmem:$0x1E400] =	vst v63  }
0x83: {  	_ =	swait.ge [sflag:s21], $0x4000  }
0x84: {  	[sflag:s21] =	ssyncset.done $0x0  }
0x85: {  	[sflag:s21] =	ssyncadd.s32 $0xFFFFC000  }
0x86: {  	[spmem:s2] =	stream.indirect.scatter.add.f32 [tilespmem:s18], [sflag:$0x4], $0x80, s24, s16, $0xb8;
	[tilespmem:$0x1E400] =	vst v63  }
0x87: {  	_ =	swait.ge [sflag:s20], $0x4000  }
0x88: {  	[sflag:s20] =	ssyncset.done $0x0  }
0x89: {  	[sflag:s20] =	ssyncadd.s32 $0xFFFFC000  }
0x8a: {  	_ =	swait.ge [sflag:s22], $0x4000  }
0x8b: {  	s25 =	sadd.s32 $0x1, s25;
	[sflag:s22] =	ssyncset.done $0x0  }
0x8c: {  	p0 =	sne.s32 s25, s12;
	[sflag:s22] =	ssyncadd.s32 $0xFFFFC000  }
.Ltmp2:
0x8d: {  	[bflag:$0x0] =	sbarrier.arrive $0xFFFF;
	(pc) =	sbr.rel @p0 .LBB2_1-.Ltmp2, $4  }
0x8e: {  	[hbm:s11], [sflag:s6] =	dma.local [spmem:s13], $0x2780  }
0x8f: {  	_ =	swait.ge [sflag:s14], $0x2780  }
0x90: {  	[sflag:s14] =	ssyncset.done $0x0  }
0x91: {  	[sflag:s14] =	ssyncadd.s32 $0xFFFFD880  }
0x92: {  	_ =	sfence.sel $0x180000  }
0x93: {  	[bflag:$0x0] =	sbarrier.arrive $0xFFFF  }
0x94: {  	p0 =	sne.s32 s3, $0x0;
	_ =	strace $0x90000047  }
0x95: {  	s0 =	sadd.s32 @!p0 $0x100000, s0;
	[bflag:$0x2] =	sbarrier.arrive $0xFFFF  }
0x96: {  	[sflag:s0] =	ssyncadd.tile.s32 @!p0 $0x1;
	_ =	shalt  }
.Lfunc_end2:
_tile_overlayer_lowered:
.L_overlay_start_2:
0x97: {  	(tag) =	ssettag $0x2  }
0x98: {  	s0 =	rddreg [dreg:$0x0];
	s2 =	stileid.u32  }
0x99: {  	s1 =	rddreg [dreg:$0x1];
	p0 =	sne.s32 s2, $0x0  }
0x9a: {  	s3 =	rddreg [dreg:$0x2];
	[bflag:$0x3] =	sbarrier.arrive $0xFFFF;
	s2 =	simm.s32 @!p0 $0x1C05  }
0x9b: {  	[timem:s3], [sflag:s2] =	dma.local @!p0 [hbm:s0], s1  }
0x9c: {  	s0 =	simm.s32 @!p0 $0x5  }
0x9d: {  	_ =	swait.ge @!p0 [sflag:s0], s1  }
0x9e: {  	s1 =	ssub.s32 @!p0 $0x0, s1;
	[sflag:s0] =	ssyncset.done @!p0 $0x0  }
0x9f: {  	[sflag:s0] =	ssyncadd.s32 @!p0 s1  }
0xa0: {  	[bflag:$0x3] =	sbarrier.arrive $0xFFFF  }
0xa1: {  	_ =	shalt  }

// kernel: kernel.9.cloned.1.call-start
scs
__scs_entry_jumppad:
0x0: {  	(pc) =	sbr.rel $0x88, $3  }
0x1: {  	(tag) =	ssettag $0x0;
	lr =	simm.s32 $0x1  }
0x2: {  	[smem:$0x3F90] =	sst lr;
	_ =	strace $0xD0000000  }
0x3: {  	_ = 	snop  }
0x4: {  	_ = 	snop  }
0x5: {  	_ = 	snop  }
0x6: {  	_ = 	snop  }
0x7: {  	_ = 	snop  }
__scs_overlays_trampoline_lowered:
0x8: {  	[smem:$0x3F9F] =	sst s0  }
0x9: {  	[smem:$0x3FA0] =	sst s1  }
0xa: {  	[smem:$0x3FA1] =	sst s2  }
0xb: {  	[smem:$0x3FA2] =	sst s3  }
0xc: {  	[smem:$0x3FA3] =	sst s4  }
0xd: {  	[smem:$0x3FA4] =	sst s5  }
0xe: {  	[smem:$0x3FA5] =	sst s6  }
0xf: {  	[smem:$0x3FA6] =	sst s7  }
0x10: {  	[smem:$0x3FA7] =	sst s8  }
0x11: {  	[smem:$0x3FA8] =	sst s9;
	s0 =	simm.s32 @!p0 $0x0  }
0x12: {  	s1 =	sld [smem:$0x3F8E];
	s0 =	simm.s32 @p0 $0x1  }
0x13: {  	[smem:$0x3FA9] =	sst s0;
	s0 =	simm.s32 @!p1 $0x0  }
0x14: {  	s2 =	sld [smem:$0x3F8D];
	s0 =	simm.s32 @p1 $0x1  }
0x15: {  	[smem:$0x3FAA] =	sst s0;
	s0 =	simm.s32 @!p2 $0x0  }
0x16: {  	s3 =	sld [smem:$0x3FDB];
	s0 =	simm.s32 @p2 $0x1  }
0x17: {  	s4 =	simm.s32 $0x1BF5;
	[smem:$0x3FAC] =	sst s0  }
0x18: {  	s0 =	sld [smem:$0x3F8F];
	_ =	swait.ge [sflag:s4], $0x0  }
0x19: {  	s7 =	sld [smem:$0x3F90]  }
0x1a: {  	s8 =	sadd.s32 $0xFFFFE003, lr  }
0x1b: {  	s9 =	sadd.s32 $0xFFFFFEF7, lr;
	s5 =	simm.s32 $0xFFFFFFFF;
	p2 =	slt.u32 s8, $0xFFFFF086  }
0x1c: {  	p1 =	slt.u32 s9, $0xF7A;
	s5 =	simm.s32 @!p2 $0x0  }
0x1d: {  	s5 =	simm.s32 @p1 $0x1;
	p0 =	seq.s32 s7, s2  }
0x1e: {  	s7 =	smul.u32 @!p0 $0xF7A, s2;
	p2 =	seq.s32 @!p0 s5, $0x0  }
0x1f: {  	s9 =	smul.u32 $0xF7A, s1;
	s8 =	simm.s32 @!p0 $0x1BF5;
	p2 =	por !p2, p0  }
0x20: {  	[sflag:s8] =	ssyncset.s32 @!p0 $0xFFFFF086;
	s6 =	sadd.s32 @!p0 s3, s7;
	s7 =	simm.s32 @!p0 $0x108  }
0x21: {  	s3 =	sadd.s32 s3, s9;
	s6 =	sadd.s32 @!p0 $0x88, s6;
	s7 =	simm.s32 @p2 $0x1082  }
0x22: {  	[simem:s7], [sflag:s8] =	dma.local @!p0 [hbm:s6], $0xF7A  }
0x23: {  	s9 =	sor.u32 $0xD0000000, s2;
	s6 =	simm.s32 $0x108;
	_ =	swait.ge @!p0 [sflag:s8], $0x0  }
0x24: {  	s3 =	sadd.s32 $0x88, s3;
	s6 =	simm.s32 @!p1 $0x1082;
	[sflag:s4] =	ssyncset.s32 $0xFFFFF086  }
0x25: {  	[simem:s6], [sflag:s4] =	dma.local [hbm:s3], $0xF7A  }
0x26: {  	[smem:$0x3F90] =	sst s1;
	(tag) =	ssettag s2;
	_ =	strace s9  }
0x27: {  	s1 =	sld [smem:$0x3FA0]  }
0x28: {  	s2 =	sld [smem:$0x3FA1]  }
0x29: {  	s4 =	sld [smem:$0x3FA3]  }
0x2a: {  	p0 =	seq.s32 s5, $0x0;
	s5 =	sld [smem:$0x3FA4]  }
0x2b: {  	s6 =	sld [smem:$0x3FA5]  }
0x2c: {  	s7 =	sld [smem:$0x3FA6]  }
0x2d: {  	s3 =	simm.s32 $0x108;
	s8 =	sld [smem:$0x3FA7]  }
0x2e: {  	s3 =	simm.s32 @!p0 $0x1082;
	s9 =	sld [smem:$0x3FA8]  }
0x2f: {  	lr =	sadd.s32 s0, s3;
	s0 =	sld [smem:$0x3F9F]  }
0x30: {  	s3 =	sld [smem:$0x3FA2]  }
0x31: {  	[smem:$0x3FAB] =	sst s10  }
0x32: {  	s10 =	sld [smem:$0x3FA9];
	_ =	sdelay $0x3  }
0x33: {  	p0 =	seq.s32 s10, $0x1;
	s10 =	sld [smem:$0x3FAB];
	_ =	sdelay $0x3  }
0x34: {  	[smem:$0x3FAB] =	sst s10  }
0x35: {  	s10 =	sld [smem:$0x3FAA];
	_ =	sdelay $0x3  }
0x36: {  	p1 =	seq.s32 s10, $0x1;
	s10 =	sld [smem:$0x3FAB];
	_ =	sdelay $0x3  }
0x37: {  	[smem:$0x3FAB] =	sst s10  }
0x38: {  	s10 =	sld [smem:$0x3FAC]  }
0x39: {  	_ = 	snop;
	(pc) =	sbr.ind lr, $3  }
0x3a: {  	_ = 	snop  }
0x3b: {  	_ = 	snop  }
0x3c: {  	p2 =	seq.s32 s10, $0x1;
	s10 =	sld [smem:$0x3FAB]  }
0x3d: {  	_ =	shalt  }
0x3e: {  	_ =	shalt  }
0x3f: {  	_ =	shalt  }
0x40: {  	_ =	shalt  }
0x41: {  	_ =	shalt  }
0x42: {  	_ =	shalt  }
0x43: {  	_ =	shalt  }
0x44: {  	_ =	shalt  }
0x45: {  	_ =	shalt  }
0x46: {  	_ =	shalt  }
0x47: {  	_ =	shalt  }
0x48: {  	_ =	shalt  }
0x49: {  	_ =	shalt  }
0x4a: {  	_ =	shalt  }
0x4b: {  	_ =	shalt  }
0x4c: {  	_ =	shalt  }
0x4d: {  	_ =	shalt  }
0x4e: {  	_ =	shalt  }
0x4f: {  	_ =	shalt  }
0x50: {  	_ =	shalt  }
0x51: {  	_ =	shalt  }
0x52: {  	_ =	shalt  }
0x53: {  	_ =	shalt  }
0x54: {  	_ =	shalt  }
0x55: {  	_ =	shalt  }
0x56: {  	_ =	shalt  }
0x57: {  	_ =	shalt  }
0x58: {  	_ =	shalt  }
0x59: {  	_ =	shalt  }
0x5a: {  	_ =	shalt  }
0x5b: {  	_ =	shalt  }
0x5c: {  	_ =	shalt  }
0x5d: {  	_ =	shalt  }
0x5e: {  	_ =	shalt  }
0x5f: {  	_ =	shalt  }
0x60: {  	_ =	shalt  }
0x61: {  	_ =	shalt  }
0x62: {  	_ =	shalt  }
0x63: {  	_ =	shalt  }
0x64: {  	_ =	shalt  }
0x65: {  	_ =	shalt  }
0x66: {  	_ =	shalt  }
0x67: {  	_ =	shalt  }
0x68: {  	_ =	shalt  }
0x69: {  	_ =	shalt  }
0x6a: {  	_ =	shalt  }
0x6b: {  	_ =	shalt  }
0x6c: {  	_ =	shalt  }
0x6d: {  	_ =	shalt  }
0x6e: {  	_ =	shalt  }
0x6f: {  	_ =	shalt  }
0x70: {  	_ =	shalt  }
0x71: {  	_ =	shalt  }
0x72: {  	_ =	shalt  }
0x73: {  	_ =	shalt  }
0x74: {  	_ =	shalt  }
0x75: {  	_ =	shalt  }
0x76: {  	_ =	shalt  }
0x77: {  	_ =	shalt  }
0x78: {  	_ =	shalt  }
0x79: {  	_ =	shalt  }
0x7a: {  	_ =	shalt  }
0x7b: {  	_ =	shalt  }
0x7c: {  	_ =	shalt  }
0x7d: {  	_ =	shalt  }
0x7e: {  	_ =	shalt  }
0x7f: {  	_ =	shalt  }
0x80: {  	_ =	shalt  }
0x81: {  	_ =	shalt  }
0x82: {  	_ =	shalt  }
0x83: {  	_ =	shalt  }
0x84: {  	_ =	shalt  }
0x85: {  	_ =	shalt  }
0x86: {  	_ =	shalt  }
0x87: {  	_ =	shalt  }
.Lfunc_end0:
.L_simem_size_0:
called_computation.1_lowered:
.L_overlay_start_0:
0x88: {  	s2 =	sld [smem:$0x3FD9]  }
0x89: {  	s3 =	sld [smem:$0x3FFE];
	_ =	sdelay $0x1  }
0x8a: {  	s1 =	srdreg.scid  }
0x8b: {  	s0 =	sand.u32 $0x1, s1  }
0x8c: {  	s16 =	sshll.u32 s0, $0xA;
	s2 =	sadd.s32 s3, s2  }
0x8d: {  	s2 =	sadd.s32 s2, s16  }
0x8e: {  	[smem:$0x3FB7] =	sst s2  }
0x8f: {  	_ = 	snop  }
0x90: {  	(tm) =	ssettm $0x1  }
0x91: {  	s17 =	sld [smem:$0x3FFB];
	_ =	sdelay $0x3  }
0x92: {  	_ =	strace s17  }
0x93: {  	s2 =	sld [smem:$0x3FFC];
	_ =	sdelay $0x3  }
0x94: {  	_ =	strace s2  }
0x95: {  	s2 =	sld [smem:$0x3FFD];
	_ =	sdelay $0x3  }
0x96: {  	_ =	strace s2  }
0x97: {  	_ =	strace $0x8FFFFFFF  }
0x98: {  	s18 =	sld [smem:$0x3FDB];
	_ =	sdelay $0x1  }
0x99: {  	s19 =	simm.s32 $_scs_section_size  }
0x9a: {  	s4 =	simm.s32 $_size__tile_overlayer_lowered;
	s5 =	simm.s32 $_tile_overlayer_lowered  }
0x9b: {  	s22 =	simm.s32 $0x1BFF;
	s21 =	sshll.u32 s5, $0x1;
	s2 =	sadd.s32 s19, s18  }
0x9c: {  	s6 =	simm.s32 $0x0;
	s20 =	sshll.u32 s4, $0x1;
	s4 =	sadd.s32 s21, s2  }
0x9d: {  	[timem:s6], [sflag:s22] =	dma.local [hbm:s4], s20  }
0x9e: {  	_ =	swait.ge [sflag:s22], s20  }
0x9f: {  	s3 =	ssub.s32 $0x0, s20;
	[sflag:s22] =	ssyncset.done $0x0  }
0xa0: {  	[sflag:s22] =	ssyncadd.s32 s3;
	_ =	sdelay $0x1  }
0xa1: {  	s23 =	simm.s32 $0x1B8B  }
0xa2: {  	_ =	swait.ge [sflag:s23], $0x1  }
0xa3: {  	[sflag:s23] =	ssyncset.done $0x0  }
0xa4: {  	s25 =	simm.s32 $0x1B8E;
	s24 =	sld [smem:$0x3FFE];
	[sflag:s23] =	ssyncadd.s32 $0xFFFFFFFF  }
0xa5: {  	s26 =	simm.s32 $execute0_lowered;
	[smem:$0x3FD2] =	sst s25  }
0xa6: {  	s4 =	sshll.u32 s26, $0x1;
	_ =	strace $0x80000049;
	[dreg:$0x1] =	wrdreg $0xFFFFFFFF  }
0xa7: {  	s28 =	simm.s32 $_size_execute0_lowered;
	s2 =	sadd.s32 s2, s4;
	[dreg:$0x0] =	wrdreg $0x0  }
0xa8: {  	s4 =	sshll.u32 s28, $0x1;
	[dreg:$0x2] =	wrdreg s2  }
0xa9: {  	[dreg:$0x3] =	wrdreg s4  }
0xaa: {  	[dreg:$0x4] =	wrdreg $0xC0  }
0xab: {  	_ =	task [dreg:s6], $0x5FFFF  }
0xac: {  	[dreg:$0x1] =	wrdreg $0xFFFFFFFF  }
0xad: {  	[dreg:$0x0] =	wrdreg $0x60  }
0xae: {  	[dreg:$0x2] =	wrdreg s24  }
0xaf: {  	[dreg:$0x3] =	wrdreg $0x28000  }
0xb0: {  	[dreg:$0x4] =	wrdreg $0x9  }
0xb1: {  	_ =	task.clear_ibuf [dreg:s6], $0x5FFFF;
	_ =	strace $0x90000049  }
0xb2: {  	s29 =	simm.s32 $0x9;
	_ =	strace $0x8000004B  }
0xb3: {  	_ =	swait.ge [sflag:s29], $0x1  }
0xb4: {  	[sflag:s29] =	ssyncadd.s32 $0xFFFFFFFF  }
0xb5: {  	_ =	strace $0x9000004B  }
0xb6: {  	_ =	sfence  }
0xb7: {  	s30 =	sld [smem:$0x0];
	_ =	sdelay $0x2  }
0xb8: {  	s31 =	sshll.u32 s1, $0xD;
	s1 =	sshrl.u32 s1, $0x2  }
0xb9: {  	s3 =	sand.u32 $0x4000, s31;
	s1 =	sadd.s32 s1, s30  }
0xba: {  	s0 =	sor.u32 s3, s0;
	s1 =	sshll.u32 s1, $0x11  }
0xbb: {  	s0 =	sor.u32 s1, s0  }
0xbc: {  	s0 =	sadd.s32 $0x8F2B, s0  }
0xbd: {  	[sflag:s0] =	ssyncadd.remote.s32 $0x1  }
0xbe: {  	_ =	sfence.sel $0xFFFF  }
0xbf: {  	[dreg:$0x0] =	wrdreg $0xFFFFFFFF;
	(pc) =	sbr.abs _section_cstart, $3  }
0xc0: {  	[dreg:$0x1] =	wrdreg $0xFFFFFFFF  }
0xc1: {  	_ =	task.clear_ibuf [dreg:s6], $0x2FFFF;
	_ =	strace $0x9FFFFFFF  }
0xc2: {  	(tm) =	ssettm $0x7FFFFFFF  }
0xc3: {  	_ =	shalt  }
tec
execute0_lowered:
.L_overlay_start_1:
0x0: {  	(tag) =	ssettag $0x1  }
0x1: {  	s6 =	rddreg [dreg:$0x0]  }
0x2: {  	s1 =	rddreg [dreg:$0x1]  }
0x3: {  	s0 =	rddreg [dreg:$0x2];
	s3 =	simm.s32 $0x0;
	s2 =	srdreg.scid  }
0x4: {  	s16 =	simm.s32 $0x80;
	s17 =	simm.s32 $0x16400;
	s18 =	simm.s32 $0x1A400  }
0x5: {  	s19 =	simm.s32 $0x1;
	s20 =	simm.s32 $0x3;
	s21 =	simm.s32 $0x2  }
0x6: {  	s22 =	simm.s32 $0x4;
	s23 =	simm.s32 $0x2700;
	s24 =	simm.s32 $0x2780  }
0x7: {  	[smem:$0x7FF] =	sst s3;
	s7 =	sand.u32 $0x1, s2;
	s2 =	stileid.u32  }
0x8: {  	s4 =	sadd.s32 $0x19800, s6;
	s10 =	sadd.s32 $0xD000, s6;
	s11 =	sadd.s32 $0x3000, s6  }
0x9: {  	s5 =	sadd.s32 $0x17000, s6;
	s8 =	smul.u32 $0x13C000, s7;
	_ =	strace $0x8000004A  }
0xa: {  	s9 =	smul.u32 $0x13C00, s2;
	s25 =	sshll.u32 s2, $0x1;
	s12 =	ssub.s32 $0x2, s7  }
0xb: {  	s26 =	smul.u32 $0x4F000, s2;
	s30 =	sshll.u32 s2, $0x6;
	s7 =	sor.u32 s7, s25  }
0xc: {  	s13 =	sshrl.u32 s12, $0x1;
	s25 =	simm.s32 $0x0;
	s8 =	sadd.s32 s9, s8  }
0xd: {  	s7 =	smul.u32 $0x2800, s7;
	s12 =	ssub.s32 s12, s13;
	s28 =	sshrl.u32 s26, $0x2  }
0xe: {  	s8 =	sshrl.u32 s8, $0x3;
	s29 =	sadd.s32 s28, s1;
	s12 =	smax.u32 s12, $0x1  }
0xf: {  	s14 =	sadd.s32 s8, s6;
	s31 =	sshrl.u32 s7, $0x3;
	s6 =	sor.u32 $0x1C05, s30  }
0x10: {  	s13 =	sshrl.u32 s29, $0x3;
	s7 =	sadd.s32 s10, s31;
	s15 =	sadd.s32 $0x280, s31  }
0x11: {  	s8 =	sadd.s32 s11, s31;
	s9 =	sadd.s32 s10, s15;
	s10 =	sadd.s32 s11, s15  }
0x12: {  	s11 =	sadd.s32 $0x40A00, s14;
	s14 =	simm.s32 $0x5;
	s15 =	simm.s32 $0x1400  }
.LBB2_1:
0x13: {  	[spmem:s13], [sflag:s6] =	dma.local [hbm:s5], $0x2780  }
0x14: {  	_ =	swait.ge [sflag:s14], $0x2780  }
0x15: {  	[sflag:s14] =	ssyncset.done $0x0  }
0x16: {  	[sflag:s14] =	ssyncadd.s32 $0xFFFFD880  }
0x17: {  	[bflag:$0x0] =	sbarrier.arrive $0xFFFF  }
0x18: {  	[tilespmem:s3], [sflag:$0x5] =	stream.linear.gather [hbm4b:s7+s3], $0x1400, $0x38;
	[tilespmem:$0x1E400] =	vst v63  }
0x19: {  	_ =	swait.ge [sflag:s14], $0x1400  }
0x1a: {  	[sflag:s14] =	ssyncset.done $0x0  }
0x1b: {  	[sflag:s14] =	ssyncadd.s32 $0xFFFFEC00  }
0x1c: {  	[tilespmem:s15], [sflag:$0x5] =	stream.linear.gather [hbm4b:s8+s3], $0x1400, $0x38;
	[tilespmem:$0x1E400] =	vst v63  }
0x1d: {  	_ =	swait.ge [sflag:s14], $0x1400  }
0x1e: {  	[sflag:s14] =	ssyncset.done $0x0  }
0x1f: {  	[sflag:s14] =	ssyncadd.s32 $0xFFFFEC00  }
0x20: {  	[tilespmem:s17], [sflag:$0x1] =	stream.indirect.gather [hbm4b:s4+s16], $0x80, s3, s16, $0xb8;
	[tilespmem:$0x1E400] =	vst v63  }
0x21: {  	_ = 	snop  }
0x22: {  	[tilespmem:s18], [sflag:$0x2] =	stream.indirect.gather [hbm4b:s4+s16], $0x80, s16, s16, $0xb8;
	[tilespmem:$0x1E400] =	vst v63  }
0x23: {  	_ =	swait.ge [sflag:s19], $0x4000  }
0x24: {  	[sflag:s19] =	ssyncset.done $0x0  }
0x25: {  	s26 =	simm.s32 $0x1400;
	[sflag:s19] =	ssyncadd.s32 $0xFFFFC000  }
0x26: {  	[spmem:s1] =	stream.indirect.scatter.add.f32 [tilespmem:s17], [sflag:$0x3], $0x80, s26, s16, $0xb8;
	[tilespmem:$0x1E400] =	vst v63  }
0x27: {  	_ =	swait.ge [sflag:s20], $0x4000  }
0x28: {  	[sflag:s20] =	ssyncset.done $0x0  }
0x29: {  	s30 =	simm.s32 $0x100;
	[sflag:s20] =	ssyncadd.s32 $0xFFFFC000  }
0x2a: {  	[tilespmem:s17], [sflag:$0x1] =	stream.indirect.gather [hbm4b:s4+s16], $0x80, s30, s16, $0xb8;
	[tilespmem:$0x1E400] =	vst v63  }
0x2b: {  	_ =	swait.ge [sflag:s21], $0x4000  }
0x2c: {  	[sflag:s21] =	ssyncset.done $0x0  }
0x2d: {  	s31 =	simm.s32 $0x1480;
	[sflag:s21] =	ssyncadd.s32 $0xFFFFC000  }
0x2e: {  	[spmem:s1] =	stream.indirect.scatter.add.f32 [tilespmem:s18], [sflag:$0x4], $0x80, s31, s16, $0xb8;
	[tilespmem:$0x1E400] =	vst v63  }
0x2f: {  	_ =	swait.ge [sflag:s22], $0x4000  }
0x30: {  	[sflag:s22] =	ssyncset.done $0x0  }
0x31: {  	s28 =	simm.s32 $0x180;
	s26 =	simm.s32 $0x400;
	[sflag:s22] =	ssyncadd.s32 $0xFFFFC000  }
.LBB2_2:
0x32: {  	[tilespmem:s18], [sflag:$0x2] =	stream.indirect.gather [hbm4b:s4+s16], $0x80, s28, s16, $0xb8;
	[tilespmem:$0x1E400] =	vst v63  }
0x33: {  	s28 =	smov.u32 s26  }
0x34: {  	p0 =	sne.s32 s26, $0x4800;
	s26 =	sadd.s32 $0x400, s26;
	_ =	swait.ge [sflag:s19], $0x4000  }
0x35: {  	s28 =	sshra.s32 s28, $0x2;
	[sflag:s19] =	ssyncset.done $0x0  }
0x36: {  	s29 =	sadd.s32 $0x1400, s28;
	[sflag:s19] =	ssyncadd.s32 $0xFFFFC000  }
0x37: {  	[spmem:s1] =	stream.indirect.scatter.add.f32 [tilespmem:s17], [sflag:$0x3], $0x80, s29, s16, $0xb8;
	[tilespmem:$0x1E400] =	vst v63  }
0x38: {  	_ =	swait.ge [sflag:s20], $0x4000  }
0x39: {  	[sflag:s20] =	ssyncset.done $0x0  }
0x3a: {  	s29 =	sadd.s32 $0x100, s28;
	[sflag:s20] =	ssyncadd.s32 $0xFFFFC000  }
0x3b: {  	[tilespmem:s17], [sflag:$0x1] =	stream.indirect.gather [hbm4b:s4+s16], $0x80, s29, s16, $0xb8;
	[tilespmem:$0x1E400] =	vst v63  }
0x3c: {  	_ =	swait.ge [sflag:s21], $0x4000  }
0x3d: {  	[sflag:s21] =	ssyncset.done $0x0  }
.Ltmp0:
0x3e: {  	s29 =	sadd.s32 $0x1480, s28;
	[sflag:s21] =	ssyncadd.s32 $0xFFFFC000;
	(pc) =	sbr.rel @p0 .LBB2_2-.Ltmp0, $4  }
0x3f: {  	[spmem:s1] =	stream.indirect.scatter.add.f32 [tilespmem:s18], [sflag:$0x4], $0x80, s29, s16, $0xb8;
	[tilespmem:$0x1E400] =	vst v63  }
0x40: {  	_ =	swait.ge [sflag:s22], $0x4000  }
0x41: {  	[sflag:s22] =	ssyncset.done $0x0  }
0x42: {  	s28 =	sadd.s32 $0x180, s28;
	[sflag:s22] =	ssyncadd.s32 $0xFFFFC000  }
0x43: {  	[tilespmem:s18], [sflag:$0x2] =	stream.indirect.gather [hbm4b:s4+s16], $0x80, s28, s16, $0xb8;
	[tilespmem:$0x1E400] =	vst v63  }
0x44: {  	_ =	swait.ge [sflag:s19], $0x4000  }
0x45: {  	[sflag:s19] =	ssyncset.done $0x0  }
0x46: {  	[sflag:s19] =	ssyncadd.s32 $0xFFFFC000  }
0x47: {  	[spmem:s1] =	stream.indirect.scatter.add.f32 [tilespmem:s17], [sflag:$0x3], $0x80, s23, s16, $0xb8;
	[tilespmem:$0x1E400] =	vst v63  }
0x48: {  	_ =	swait.ge [sflag:s21], $0x4000  }
0x49: {  	[sflag:s21] =	ssyncset.done $0x0  }
0x4a: {  	[sflag:s21] =	ssyncadd.s32 $0xFFFFC000  }
0x4b: {  	[spmem:s1] =	stream.indirect.scatter.add.f32 [tilespmem:s18], [sflag:$0x4], $0x80, s24, s16, $0xb8;
	[tilespmem:$0x1E400] =	vst v63  }
0x4c: {  	_ =	swait.ge [sflag:s20], $0x4000  }
0x4d: {  	[sflag:s20] =	ssyncset.done $0x0  }
0x4e: {  	[sflag:s20] =	ssyncadd.s32 $0xFFFFC000  }
0x4f: {  	_ =	swait.ge [sflag:s22], $0x4000  }
0x50: {  	[sflag:s22] =	ssyncset.done $0x0  }
0x51: {  	s26 =	simm.s32 $0x0;
	[sflag:s22] =	ssyncadd.s32 $0xFFFFC000  }
0x52: {  	[tilespmem:s26], [sflag:$0x5] =	stream.linear.gather [hbm4b:s9+s26], $0x1400, $0x38;
	[tilespmem:$0x1E400] =	vst v63  }
0x53: {  	_ =	swait.ge [sflag:s14], $0x1400  }
0x54: {  	[sflag:s14] =	ssyncset.done $0x0  }
0x55: {  	[sflag:s14] =	ssyncadd.s32 $0xFFFFEC00  }
0x56: {  	[tilespmem:s15], [sflag:$0x5] =	stream.linear.gather [hbm4b:s10+s26], $0x1400, $0x38;
	[tilespmem:$0x1E400] =	vst v63  }
0x57: {  	_ =	swait.ge [sflag:s14], $0x1400  }
0x58: {  	[sflag:s14] =	ssyncset.done $0x0  }
0x59: {  	[sflag:s14] =	ssyncadd.s32 $0xFFFFEC00  }
0x5a: {  	[tilespmem:s17], [sflag:$0x1] =	stream.indirect.gather [hbm4b:s4+s16], $0x80, s26, s16, $0xb8;
	[tilespmem:$0x1E400] =	vst v63  }
0x5b: {  	_ = 	snop  }
0x5c: {  	[tilespmem:s18], [sflag:$0x2] =	stream.indirect.gather [hbm4b:s4+s16], $0x80, s16, s16, $0xb8;
	[tilespmem:$0x1E400] =	vst v63  }
0x5d: {  	_ =	swait.ge [sflag:s19], $0x4000  }
0x5e: {  	[sflag:s19] =	ssyncset.done $0x0  }
0x5f: {  	s29 =	simm.s32 $0x1400;
	[sflag:s19] =	ssyncadd.s32 $0xFFFFC000  }
0x60: {  	[spmem:s1] =	stream.indirect.scatter.add.f32 [tilespmem:s17], [sflag:$0x3], $0x80, s29, s16, $0xb8;
	[tilespmem:$0x1E400] =	vst v63  }
0x61: {  	_ =	swait.ge [sflag:s20], $0x4000  }
0x62: {  	[sflag:s20] =	ssyncset.done $0x0  }
0x63: {  	s30 =	simm.s32 $0x100;
	[sflag:s20] =	ssyncadd.s32 $0xFFFFC000  }
0x64: {  	[tilespmem:s17], [sflag:$0x1] =	stream.indirect.gather [hbm4b:s4+s16], $0x80, s30, s16, $0xb8;
	[tilespmem:$0x1E400] =	vst v63  }
0x65: {  	_ =	swait.ge [sflag:s21], $0x4000  }
0x66: {  	[sflag:s21] =	ssyncset.done $0x0  }
0x67: {  	s31 =	simm.s32 $0x1480;
	[sflag:s21] =	ssyncadd.s32 $0xFFFFC000  }
0x68: {  	[spmem:s1] =	stream.indirect.scatter.add.f32 [tilespmem:s18], [sflag:$0x4], $0x80, s31, s16, $0xb8;
	[tilespmem:$0x1E400] =	vst v63  }
0x69: {  	_ =	swait.ge [sflag:s22], $0x4000  }
0x6a: {  	[sflag:s22] =	ssyncset.done $0x0  }
0x6b: {  	s28 =	simm.s32 $0x180;
	s26 =	simm.s32 $0x400;
	[sflag:s22] =	ssyncadd.s32 $0xFFFFC000  }
.LBB2_4:
0x6c: {  	[tilespmem:s18], [sflag:$0x2] =	stream.indirect.gather [hbm4b:s4+s16], $0x80, s28, s16, $0xb8;
	[tilespmem:$0x1E400] =	vst v63  }
0x6d: {  	s28 =	smov.u32 s26  }
0x6e: {  	p0 =	sne.s32 s26, $0x4800;
	s26 =	sadd.s32 $0x400, s26;
	_ =	swait.ge [sflag:s19], $0x4000  }
0x6f: {  	s28 =	sshra.s32 s28, $0x2;
	[sflag:s19] =	ssyncset.done $0x0  }
0x70: {  	s29 =	sadd.s32 $0x1400, s28;
	[sflag:s19] =	ssyncadd.s32 $0xFFFFC000  }
0x71: {  	[spmem:s1] =	stream.indirect.scatter.add.f32 [tilespmem:s17], [sflag:$0x3], $0x80, s29, s16, $0xb8;
	[tilespmem:$0x1E400] =	vst v63  }
0x72: {  	_ =	swait.ge [sflag:s20], $0x4000  }
0x73: {  	[sflag:s20] =	ssyncset.done $0x0  }
0x74: {  	s29 =	sadd.s32 $0x100, s28;
	[sflag:s20] =	ssyncadd.s32 $0xFFFFC000  }
0x75: {  	[tilespmem:s17], [sflag:$0x1] =	stream.indirect.gather [hbm4b:s4+s16], $0x80, s29, s16, $0xb8;
	[tilespmem:$0x1E400] =	vst v63  }
0x76: {  	_ =	swait.ge [sflag:s21], $0x4000  }
0x77: {  	[sflag:s21] =	ssyncset.done $0x0  }
.Ltmp1:
0x78: {  	s29 =	sadd.s32 $0x1480, s28;
	[sflag:s21] =	ssyncadd.s32 $0xFFFFC000;
	(pc) =	sbr.rel @p0 .LBB2_4-.Ltmp1, $4  }
0x79: {  	[spmem:s1] =	stream.indirect.scatter.add.f32 [tilespmem:s18], [sflag:$0x4], $0x80, s29, s16, $0xb8;
	[tilespmem:$0x1E400] =	vst v63  }
0x7a: {  	_ =	swait.ge [sflag:s22], $0x4000  }
0x7b: {  	[sflag:s22] =	ssyncset.done $0x0  }
0x7c: {  	s28 =	sadd.s32 $0x180, s28;
	[sflag:s22] =	ssyncadd.s32 $0xFFFFC000  }
0x7d: {  	[tilespmem:s18], [sflag:$0x2] =	stream.indirect.gather [hbm4b:s4+s16], $0x80, s28, s16, $0xb8;
	[tilespmem:$0x1E400] =	vst v63  }
0x7e: {  	_ =	swait.ge [sflag:s19], $0x4000  }
0x7f: {  	[sflag:s19] =	ssyncset.done $0x0  }
0x80: {  	[sflag:s19] =	ssyncadd.s32 $0xFFFFC000  }
0x81: {  	[spmem:s1] =	stream.indirect.scatter.add.f32 [tilespmem:s17], [sflag:$0x3], $0x80, s23, s16, $0xb8;
	[tilespmem:$0x1E400] =	vst v63  }
0x82: {  	_ =	swait.ge [sflag:s21], $0x4000  }
0x83: {  	[sflag:s21] =	ssyncset.done $0x0  }
0x84: {  	[sflag:s21] =	ssyncadd.s32 $0xFFFFC000  }
0x85: {  	[spmem:s1] =	stream.indirect.scatter.add.f32 [tilespmem:s18], [sflag:$0x4], $0x80, s24, s16, $0xb8;
	[tilespmem:$0x1E400] =	vst v63  }
0x86: {  	_ =	swait.ge [sflag:s20], $0x4000  }
0x87: {  	[sflag:s20] =	ssyncset.done $0x0  }
0x88: {  	[sflag:s20] =	ssyncadd.s32 $0xFFFFC000  }
0x89: {  	_ =	swait.ge [sflag:s22], $0x4000  }
0x8a: {  	s25 =	sadd.s32 $0x1, s25;
	[sflag:s22] =	ssyncset.done $0x0  }
0x8b: {  	p0 =	sne.s32 s25, s12;
	[sflag:s22] =	ssyncadd.s32 $0xFFFFC000  }
.Ltmp2:
0x8c: {  	[bflag:$0x0] =	sbarrier.arrive $0xFFFF;
	(pc) =	sbr.rel @p0 .LBB2_1-.Ltmp2, $4  }
0x8d: {  	[hbm:s11], [sflag:s6] =	dma.local [spmem:s13], $0x2780  }
0x8e: {  	_ =	swait.ge [sflag:s14], $0x2780  }
0x8f: {  	[sflag:s14] =	ssyncset.done $0x0  }
0x90: {  	[sflag:s14] =	ssyncadd.s32 $0xFFFFD880  }
0x91: {  	_ =	sfence.sel $0x180000  }
0x92: {  	[bflag:$0x0] =	sbarrier.arrive $0xFFFF  }
0x93: {  	p0 =	sne.s32 s2, $0x0;
	_ =	strace $0x9000004A  }
0x94: {  	s0 =	sadd.s32 @!p0 $0x100000, s0;
	[bflag:$0x2] =	sbarrier.arrive $0xFFFF  }
0x95: {  	[sflag:s0] =	ssyncadd.tile.s32 @!p0 $0x1;
	_ =	shalt  }
.Lfunc_end2:
_tile_overlayer_lowered:
.L_overlay_start_2:
0x96: {  	(tag) =	ssettag $0x2  }
0x97: {  	s0 =	rddreg [dreg:$0x0];
	s2 =	stileid.u32  }
0x98: {  	s1 =	rddreg [dreg:$0x1];
	p0 =	sne.s32 s2, $0x0  }
0x99: {  	s3 =	rddreg [dreg:$0x2];
	[bflag:$0x3] =	sbarrier.arrive $0xFFFF;
	s2 =	simm.s32 @!p0 $0x1C05  }
0x9a: {  	[timem:s3], [sflag:s2] =	dma.local @!p0 [hbm:s0], s1  }
0x9b: {  	s0 =	simm.s32 @!p0 $0x5  }
0x9c: {  	_ =	swait.ge @!p0 [sflag:s0], s1  }
0x9d: {  	s1 =	ssub.s32 @!p0 $0x0, s1;
	[sflag:s0] =	ssyncset.done @!p0 $0x0  }
0x9e: {  	[sflag:s0] =	ssyncadd.s32 @!p0 s1  }
0x9f: {  	[bflag:$0x3] =	sbarrier.arrive $0xFFFF  }
0xa0: {  	_ =	shalt  }

</sc_bundles>
